<compile_context>
chip_gen: v7x
topology: tpu7x:2x2x1
jax: 0.10.2.dev20260603
libtpu: 0.0.44.dev20260713+nightly
codegen_flags: <defaults>
</compile_context>

<pallas_src>
import functools

import jax
import jax.numpy as jnp
from jax import lax
from jax.experimental import pallas as pl
from jax.experimental.pallas import tpu as pltpu
from jax.experimental.pallas import tpu_sc as plsc

NC = 2
NS = 16
NW = NC * NS
CHUNK = 128


def _sc_agg(x2d, edge_index):
    n, d = x2d.shape
    e = edge_index.shape[1]
    assert e % CHUNK == 0
    ncht = e // CHUNK
    K = ncht // NW
    L = ncht - NW * K
    rows_per = (n // NS) // 8 * 8
    extra = n - NS * rows_per
    nz = rows_per // CHUNK
    remz = rows_per - nz * CHUNK

    mesh = plsc.VectorSubcoreMesh(core_axis_name="c", subcore_axis_name="s")

    @functools.partial(
        pl.kernel,
        out_type=jax.ShapeDtypeStruct((NC, n, d), jnp.float32),
        mesh=mesh,
        scratch_types=[
            pltpu.VMEM((2, CHUNK), jnp.int32),
            pltpu.VMEM((2, CHUNK), jnp.int32),
            pltpu.VMEM((2, CHUNK), jnp.int32),
            pltpu.VMEM((2, CHUNK), jnp.int32),
            pltpu.VMEM((CHUNK, d), jnp.float32),
            pltpu.VMEM((CHUNK, d), jnp.float32),
            pltpu.VMEM_SHARED((n, d), jnp.float32),
            pltpu.SemaphoreType.DMA,
            pltpu.SemaphoreType.DMA,
            pltpu.SemaphoreType.DMA,
            pltpu.SemaphoreType.DMA,
            pltpu.SemaphoreType.DMA,
            pltpu.SemaphoreType.DMA,
        ],
    )
    def k(x_hbm, ei_hbm, out_hbm,
          ib0, ib1, ib2, ib3, r0, r1, acc,
          sb0, sb1, sb2, sb3, sg0, sg1):
        ib = [ib0, ib1, ib2, ib3]
        sb = [sb0, sb1, sb2, sb3]
        r = [r0, r1]
        sg = [sg0, sg1]
        cid = lax.axis_index("c")
        sid = lax.axis_index("s")
        wid = cid * NS + sid

        def col(kk):
            return (wid + NW * kk) * CHUNK

        def idx_issue(kk, j):
            pltpu.async_copy(
                ei_hbm.at[pl.ds(0, 2), pl.ds(col(kk), CHUNK)], ib[j], sb[j])

        def idx_wait(j):
            pltpu.make_async_copy(
                ei_hbm.at[pl.ds(0, 2), pl.ds(0, CHUNK)], ib[j], sb[j]).wait()

        def gather_issue(kk, j, b):
            pltpu.async_copy(x_hbm.at[ib[j].at[0]], r[b], sg[b])

        def gather_wait(b):
            pltpu.make_async_copy(
                x_hbm.at[ib0.at[0]], r[b], sg[b]).wait()

        def scatter(j, b):
            pltpu.sync_copy(r[b], acc.at[ib[j].at[1]], add=True)

        for j in range(min(4, K)):
            idx_issue(j, j)

        idx_wait(0)
        gather_issue(0, 0, 0)

        zvec = jnp.zeros((16,), jnp.float32)

        @pl.loop(0, CHUNK)
        def _(i):
            @pl.loop(0, d, step=16)
            def _(j):
                r1[i, pl.ds(j, 16)] = zvec

        astart = sid * rows_per
        zcopies = []
        for i in range(nz):
            zcopies.append(pltpu.async_copy(
                r1, acc.at[pl.ds(astart + i * CHUNK, CHUNK)], sg1))
        if remz:
            zcopies.append(pltpu.async_copy(
                r1.at[pl.ds(0, remz)],
                acc.at[pl.ds(astart + nz * CHUNK, remz)], sg1))
        for cp in zcopies:
            cp.wait()

        if extra:
            @pl.when(sid == 0)
            def _():
                pltpu.sync_copy(r1.at[pl.ds(0, extra)],
                                acc.at[pl.ds(NS * rows_per, extra)])

        if K > 1:
            idx_wait(1)
            gather_issue(1, 1, 1)

        plsc.subcore_barrier()

        U = K // 4

        @pl.loop(0, U)
        def _(u):
            k0 = 4 * u
            for j in range(4):
                kk = k0 + j
                gather_wait(j % 2)
                scatter(j, j % 2)

                @pl.when(kk + 4 < K)
                def _():
                    idx_issue(kk + 4, j)

                @pl.when(kk + 2 < K)
                def _():
                    idx_wait((j + 2) % 4)
                    gather_issue(kk + 2, (j + 2) % 4, j % 2)

        for kk in range(4 * U, K):
            j = kk % 4
            gather_wait(j % 2)
            scatter(j, j % 2)
            if kk + 2 < K:
                idx_wait((j + 2) % 4)
                gather_issue(kk + 2, (j + 2) % 4, j % 2)

        if L:
            @pl.when(wid < L)
            def _():
                pltpu.sync_copy(
                    ei_hbm.at[pl.ds(0, 2),
                              pl.ds((NW * K + wid) * CHUNK, CHUNK)], ib0)
                pltpu.async_copy(x_hbm.at[ib0.at[0]], r0, sg0).wait()
                pltpu.sync_copy(r0, acc.at[ib0.at[1]], add=True)

        plsc.subcore_barrier()
        pltpu.sync_copy(acc.at[pl.ds(astart, rows_per)],
                        out_hbm.at[cid, pl.ds(astart, rows_per)])
        if extra:
            @pl.when(sid == 0)
            def _():
                pltpu.sync_copy(acc.at[pl.ds(NS * rows_per, extra)],
                                out_hbm.at[cid, pl.ds(NS * rows_per, extra)])

    return k(x2d, edge_index)


def _mlp_body(x_ref, a_ref, w1_ref, b1_ref, w2_ref, b2_ref, o_ref):
    h = x_ref[...] + a_ref[0] + a_ref[1]
    h = jnp.dot(h, w1_ref[...], preferred_element_type=jnp.float32)
    h = jnp.maximum(h + b1_ref[...], 0.0)
    h = jnp.dot(h, w2_ref[...], preferred_element_type=jnp.float32)
    o_ref[...] = jnp.maximum(h + b2_ref[...], 0.0)


def _mlp(x2d, aggs, W1, b1, W2, b2):
    n, d = aggs.shape[1], aggs.shape[2]
    rows = 5000
    grid = (n // rows,)
    return pl.pallas_call(
        _mlp_body,
        grid=grid,
        compiler_params=pltpu.CompilerParams(
            dimension_semantics=("parallel",)),
        in_specs=[
            pl.BlockSpec((rows, d), lambda i: (i, 0)),
            pl.BlockSpec((NC, rows, d), lambda i: (0, i, 0)),
            pl.BlockSpec((d, d), lambda i: (0, 0)),
            pl.BlockSpec((1, d), lambda i: (0, 0)),
            pl.BlockSpec((d, d), lambda i: (0, 0)),
            pl.BlockSpec((1, d), lambda i: (0, 0)),
        ],
        out_specs=pl.BlockSpec((rows, d), lambda i: (i, 0)),
        out_shape=jax.ShapeDtypeStruct((n, d), jnp.float32),
    )(x2d, aggs, W1, b1, W2, b2)


def kernel(x, edge_index, W1, b1, W2, b2):
    n = x.shape[0]
    d = x.shape[-1]
    x2d = x.reshape(n, d)
    ei = edge_index.reshape(2, -1)
    aggs = _sc_agg(x2d, ei)
    return _mlp(x2d, aggs, W1, b1.reshape(1, d), W2, b2.reshape(1, d))

# --- scband reference (transcript-rebuilt; emitter-appended) ---
"""Pipeline reference for scband-graph-decoder-32392643346499 (READ-ONLY COPY).

The authoritative reference and input builder live on the scoring server;
editing this copy changes nothing except your own understanding.
"""

import jax, jax.numpy as jnp
import numpy as np

N = 10000
E = 320000
D = 128


def setup_inputs(seed: int = 0) -> dict:
    key = jax.random.key(seed)
    k1, k2, k3, k4, k5, k6 = jax.random.split(key, 6)
    x = jax.random.normal(k1, (N, 1, D), dtype=jnp.float32)
    edge_index = jax.random.randint(k2, (2, E), 0, N, dtype=jnp.int32)
    scale1 = 1.0 / np.sqrt(D)
    W1 = jax.random.normal(k3, (D, D), dtype=jnp.float32) * scale1
    b1 = jnp.zeros((D,), dtype=jnp.float32)
    W2 = jax.random.normal(k4, (D, D), dtype=jnp.float32) * scale1
    b2 = jnp.zeros((D,), dtype=jnp.float32)
    return {"x": x, "edge_index": edge_index, "W1": W1, "b1": b1, "W2": W2, "b2": b2}


def reference(x, edge_index, W1, b1, W2, b2):
    # GraphDecoder with gnn_type='GIN':
    #   edge_index = edge_index.long().view(2, -1)
    #   GINConv (eps=0, train_eps=False): out = nn((1+eps)*x_i + sum_{j->i} x_j)
    #   nn = Linear(hidden, out) -> ReLU -> Linear(out, out)
    ei = edge_index.reshape(2, -1)
    src = ei[0]
    dst = ei[1]
    # gather neighbor features along node dim, scatter-add to destination nodes
    msgs = jnp.take(x, src, axis=0)                       # [E, 1, D]
    agg = jnp.zeros_like(x).at[dst].add(msgs)            # [N, 1, D]
    h = x + agg                                           # (1 + eps) * x + agg, eps = 0
    h = h @ W1 + b1
    h = jax.nn.relu(h)
    h = h @ W2 + b2                                       # [N, 1, D]
    h = h[:, 0:1, :]
    h = h.reshape(h.shape[0], -1)                          # [N, D]
    return jax.nn.relu(h)

if __name__ == "__main__":
    import jax
    _d = setup_inputs()
    print(jax.jit(kernel)(*tuple(_d.values())))

</pallas_src>

<mosaic_0001>
#map = affine_map<(d0, d1) -> (0, 0)>
#map1 = affine_map<(d0, d1) -> (0, 0, 0)>
module attributes {stable_mosaic.version = 14 : i64} {
  func.func @k(%arg0: i32, %arg1: i32, %arg2: memref<10000x128xf32, #tpu.memory_space<hbm>>, %arg3: memref<2x320000xi32, #tpu.memory_space<hbm>>, %arg4: memref<2x10000x128xf32, #tpu.memory_space<hbm>>, %arg5: memref<2x128xi32, #tpu.memory_space<vmem>>, %arg6: memref<2x128xi32, #tpu.memory_space<vmem>>, %arg7: memref<2x128xi32, #tpu.memory_space<vmem>>, %arg8: memref<2x128xi32, #tpu.memory_space<vmem>>, %arg9: memref<128x128xf32, #tpu.memory_space<vmem>>, %arg10: memref<128x128xf32, #tpu.memory_space<vmem>>, %arg11: memref<10000x128xf32, #tpu.memory_space<vmem_shared>>, %arg12: memref<!tpu.dma_semaphore, #tpu.memory_space<semaphore_mem>>, %arg13: memref<!tpu.dma_semaphore, #tpu.memory_space<semaphore_mem>>, %arg14: memref<!tpu.dma_semaphore, #tpu.memory_space<semaphore_mem>>, %arg15: memref<!tpu.dma_semaphore, #tpu.memory_space<semaphore_mem>>, %arg16: memref<!tpu.dma_semaphore, #tpu.memory_space<semaphore_mem>>, %arg17: memref<!tpu.dma_semaphore, #tpu.memory_space<semaphore_mem>>) attributes {dimension_semantics = [#tpu.dimension_semantics<core_parallel>, #tpu.dimension_semantics<subcore_parallel>], iteration_bounds = array<i64: 2, 16>, scalar_prefetch = 0 : i64, scratch_operands = 13 : i64, tpu.core_type = #tpu.core_type<sc_vector_subcore>, window_params = [{transform_indices = #map}, {transform_indices = #map}, {transform_indices = #map1}]} {
    %mul3A = arith.constant 16 : i32
    %mul3A_0 = arith.muli %arg0, %mul3A : i32
    %add3A = arith.addi %mul3A_0, %arg1 : i32
    %add3A_1 = arith.constant 0 : i32
    %add3A_2 = arith.addi %add3A, %add3A_1 : i32
    %mul3A_3 = arith.constant 128 : i32
    %mul3A_4 = arith.muli %add3A_2, %mul3A_3 : i32
    %dma_start3A = arith.constant 0 : i32
    %dma_start3A_5 = tpu.memref_slice %arg3[%dma_start3A, %mul3A_4] : memref<2x320000xi32, #tpu.memory_space<hbm>> -> memref<2x128xi32, #tpu.memory_space<hbm>>
    %dma_start3A_6 = arith.constant 0 : i32
    %dma_start3A_7 = tpu.memref_slice %arg3[%dma_start3A_6, %mul3A_4] : memref<2x320000xi32, #tpu.memory_space<hbm>> -> memref<2x128xi32, #tpu.memory_space<hbm>>
    tpu.enqueue_dma source(%dma_start3A_7 : memref<2x128xi32, #tpu.memory_space<hbm>>) target(%arg5 : memref<2x128xi32, #tpu.memory_space<vmem>>) target_semaphore(%arg12 : memref<!tpu.dma_semaphore, #tpu.memory_space<semaphore_mem>>)
    %add3A_8 = arith.constant 32 : i32
    %add3A_9 = arith.addi %add3A, %add3A_8 : i32
    %mul3A_10 = arith.constant 128 : i32
    %mul3A_11 = arith.muli %add3A_9, %mul3A_10 : i32
    %dma_start3A_12 = arith.constant 0 : i32
    %dma_start3A_13 = tpu.memref_slice %arg3[%dma_start3A_12, %mul3A_11] : memref<2x320000xi32, #tpu.memory_space<hbm>> -> memref<2x128xi32, #tpu.memory_space<hbm>>
    %dma_start3A_14 = arith.constant 0 : i32
    %dma_start3A_15 = tpu.memref_slice %arg3[%dma_start3A_14, %mul3A_11] : memref<2x320000xi32, #tpu.memory_space<hbm>> -> memref<2x128xi32, #tpu.memory_space<hbm>>
    tpu.enqueue_dma source(%dma_start3A_15 : memref<2x128xi32, #tpu.memory_space<hbm>>) target(%arg6 : memref<2x128xi32, #tpu.memory_space<vmem>>) target_semaphore(%arg13 : memref<!tpu.dma_semaphore, #tpu.memory_space<semaphore_mem>>)
    %add3A_16 = arith.constant 64 : i32
    %add3A_17 = arith.addi %add3A, %add3A_16 : i32
    %mul3A_18 = arith.constant 128 : i32
    %mul3A_19 = arith.muli %add3A_17, %mul3A_18 : i32
    %dma_start3A_20 = arith.constant 0 : i32
    %dma_start3A_21 = tpu.memref_slice %arg3[%dma_start3A_20, %mul3A_19] : memref<2x320000xi32, #tpu.memory_space<hbm>> -> memref<2x128xi32, #tpu.memory_space<hbm>>
    %dma_start3A_22 = arith.constant 0 : i32
    %dma_start3A_23 = tpu.memref_slice %arg3[%dma_start3A_22, %mul3A_19] : memref<2x320000xi32, #tpu.memory_space<hbm>> -> memref<2x128xi32, #tpu.memory_space<hbm>>
    tpu.enqueue_dma source(%dma_start3A_23 : memref<2x128xi32, #tpu.memory_space<hbm>>) target(%arg7 : memref<2x128xi32, #tpu.memory_space<vmem>>) target_semaphore(%arg14 : memref<!tpu.dma_semaphore, #tpu.memory_space<semaphore_mem>>)
    %add3A_24 = arith.constant 96 : i32
    %add3A_25 = arith.addi %add3A, %add3A_24 : i32
    %mul3A_26 = arith.constant 128 : i32
    %mul3A_27 = arith.muli %add3A_25, %mul3A_26 : i32
    %dma_start3A_28 = arith.constant 0 : i32
    %dma_start3A_29 = tpu.memref_slice %arg3[%dma_start3A_28, %mul3A_27] : memref<2x320000xi32, #tpu.memory_space<hbm>> -> memref<2x128xi32, #tpu.memory_space<hbm>>
    %dma_start3A_30 = arith.constant 0 : i32
    %dma_start3A_31 = tpu.memref_slice %arg3[%dma_start3A_30, %mul3A_27] : memref<2x320000xi32, #tpu.memory_space<hbm>> -> memref<2x128xi32, #tpu.memory_space<hbm>>
    tpu.enqueue_dma source(%dma_start3A_31 : memref<2x128xi32, #tpu.memory_space<hbm>>) target(%arg8 : memref<2x128xi32, #tpu.memory_space<vmem>>) target_semaphore(%arg15 : memref<!tpu.dma_semaphore, #tpu.memory_space<semaphore_mem>>)
    %dma_wait3A = arith.constant 0 : i32
    %dma_wait3A_32 = arith.constant 0 : i32
    %dma_wait3A_33 = tpu.memref_slice %arg3[%dma_wait3A, %dma_wait3A_32] : memref<2x320000xi32, #tpu.memory_space<hbm>> -> memref<2x128xi32, #tpu.memory_space<hbm>>
    %dma_wait3A_34 = arith.constant 0 : i32
    %dma_wait3A_35 = arith.constant 0 : i32
    %dma_wait3A_36 = tpu.memref_slice %arg3[%dma_wait3A_34, %dma_wait3A_35] : memref<2x320000xi32, #tpu.memory_space<hbm>> -> memref<2x128xi32, #tpu.memory_space<hbm>>
    tpu.wait_dma2 semaphore(%arg12 : memref<!tpu.dma_semaphore, #tpu.memory_space<semaphore_mem>>) src(%dma_wait3A_36 : memref<2x128xi32, #tpu.memory_space<hbm>>) dst(%arg5 : memref<2x128xi32, #tpu.memory_space<vmem>>)
    %dma_start3A_37 = arith.constant 0 : i32
    %dma_start3A_38 = arith.constant 0 : i32
    %dma_start3A_39 = tpu.memref_slice %arg5[%dma_start3A_37, %dma_start3A_38] : memref<2x128xi32, #tpu.memory_space<vmem>> -> memref<1x128xi32, #tpu.memory_space<vmem>>
    %dma_start3A_40 = tpu.memref_squeeze %dma_start3A_39 : memref<1x128xi32, #tpu.memory_space<vmem>> -> memref<128xi32, #tpu.memory_space<vmem>>
    %dma_start3A_41 = arith.constant 0 : i32
    %dma_start3A_42 = arith.constant 0 : i32
    %dma_start3A_43 = tpu.memref_slice %arg2[%dma_start3A_41, %dma_start3A_42] : memref<10000x128xf32, #tpu.memory_space<hbm>> -> memref<10000x128xf32, #tpu.memory_space<hbm>>
    tpu.enqueue_indirect_dma source(%dma_start3A_43 : memref<10000x128xf32, #tpu.memory_space<hbm>>) target(%arg9 : memref<128x128xf32, #tpu.memory_space<vmem>>) offsets(%dma_start3A_40 : memref<128xi32, #tpu.memory_space<vmem>>) semaphore(%arg16 : memref<!tpu.dma_semaphore, #tpu.memory_space<semaphore_mem>>)
    %broadcast_in_dim3A = arith.constant 0.000000e+00 : f32
    %broadcast_in_dim3A_44 = vector.broadcast %broadcast_in_dim3A : f32 to vector<16xf32>
    %scan3A = arith.constant 0 : i32
    %scan3A_45 = arith.constant 128 : i32
    %scan3A_46 = arith.addi %scan3A, %scan3A_45 : i32
    %scan3A_47 = arith.constant 1 : i32
    scf.for %scan3A_158 = %scan3A to %scan3A_46 step %scan3A_47  : i32 {
      %mul3A_159 = arith.constant 1 : i32
      %mul3A_160 = arith.muli %scan3A_158, %mul3A_159 : i32
      %add3A_161 = arith.constant 0 : i32
      %add3A_162 = arith.addi %add3A_161, %mul3A_160 : i32
      %scan3A_163 = arith.constant 0 : i32
      %scan3A_164 = arith.constant 8 : i32
      %scan3A_165 = arith.addi %scan3A_163, %scan3A_164 : i32
      %scan3A_166 = arith.constant 1 : i32
      scf.for %scan3A_168 = %scan3A_163 to %scan3A_165 step %scan3A_166  : i32 {
        %mul3A_169 = arith.constant 16 : i32
        %mul3A_170 = arith.muli %scan3A_168, %mul3A_169 : i32
        %add3A_171 = arith.constant 0 : i32
        %add3A_172 = arith.addi %add3A_171, %mul3A_170 : i32
        %swap3A = arith.index_cast %add3A_162 : i32 to index
        %swap3A_173 = arith.index_cast %add3A_172 : i32 to index
        %swap3A_174 = tpu.vector_load %arg10[%swap3A, %swap3A_173] {strides = array<i32>} : memref<128x128xf32, #tpu.memory_space<vmem>>, vector<1x16xf32>,
        %swap3A_175 = vector.shape_cast %swap3A_174 : vector<1x16xf32> to vector<16xf32>
        %swap3A_176 = vector.shape_cast %broadcast_in_dim3A_44 : vector<16xf32> to vector<1x16xf32>
        tpu.vector_store %arg10[%swap3A, %swap3A_173], %swap3A_176 {strides = array<i32>} : memref<128x128xf32, #tpu.memory_space<vmem>>, vector<1x16xf32>,
      }
      %scan3A_167 = arith.constant 8 : i32
    }
    %scan3A_48 = arith.constant 128 : i32
    %mul3A_49 = arith.constant 624 : i32
    %mul3A_50 = arith.muli %arg1, %mul3A_49 : i32
    %add3A_51 = arith.constant 0 : i32
    %add3A_52 = arith.addi %mul3A_50, %add3A_51 : i32
    %dma_start3A_53 = arith.constant 0 : i32
    %dma_start3A_54 = tpu.memref_slice %arg11[%add3A_52, %dma_start3A_53] : memref<10000x128xf32, #tpu.memory_space<vmem_shared>> -> memref<128x128xf32, #tpu.memory_space<vmem_shared>>
    %dma_start3A_55 = arith.constant 0 : i32
    %dma_start3A_56 = tpu.memref_slice %arg11[%add3A_52, %dma_start3A_55] : memref<10000x128xf32, #tpu.memory_space<vmem_shared>> -> memref<128x128xf32, #tpu.memory_space<vmem_shared>>
    tpu.enqueue_dma source(%arg10 : memref<128x128xf32, #tpu.memory_space<vmem>>) target(%dma_start3A_56 : memref<128x128xf32, #tpu.memory_space<vmem_shared>>) target_semaphore(%arg17 : memref<!tpu.dma_semaphore, #tpu.memory_space<semaphore_mem>>)
    %add3A_57 = arith.constant 128 : i32
    %add3A_58 = arith.addi %mul3A_50, %add3A_57 : i32
    %dma_start3A_59 = arith.constant 0 : i32
    %dma_start3A_60 = tpu.memref_slice %arg11[%add3A_58, %dma_start3A_59] : memref<10000x128xf32, #tpu.memory_space<vmem_shared>> -> memref<128x128xf32, #tpu.memory_space<vmem_shared>>
    %dma_start3A_61 = arith.constant 0 : i32
    %dma_start3A_62 = tpu.memref_slice %arg11[%add3A_58, %dma_start3A_61] : memref<10000x128xf32, #tpu.memory_space<vmem_shared>> -> memref<128x128xf32, #tpu.memory_space<vmem_shared>>
    tpu.enqueue_dma source(%arg10 : memref<128x128xf32, #tpu.memory_space<vmem>>) target(%dma_start3A_62 : memref<128x128xf32, #tpu.memory_space<vmem_shared>>) target_semaphore(%arg17 : memref<!tpu.dma_semaphore, #tpu.memory_space<semaphore_mem>>)
    %add3A_63 = arith.constant 256 : i32
    %add3A_64 = arith.addi %mul3A_50, %add3A_63 : i32
    %dma_start3A_65 = arith.constant 0 : i32
    %dma_start3A_66 = tpu.memref_slice %arg11[%add3A_64, %dma_start3A_65] : memref<10000x128xf32, #tpu.memory_space<vmem_shared>> -> memref<128x128xf32, #tpu.memory_space<vmem_shared>>
    %dma_start3A_67 = arith.constant 0 : i32
    %dma_start3A_68 = tpu.memref_slice %arg11[%add3A_64, %dma_start3A_67] : memref<10000x128xf32, #tpu.memory_space<vmem_shared>> -> memref<128x128xf32, #tpu.memory_space<vmem_shared>>
    tpu.enqueue_dma source(%arg10 : memref<128x128xf32, #tpu.memory_space<vmem>>) target(%dma_start3A_68 : memref<128x128xf32, #tpu.memory_space<vmem_shared>>) target_semaphore(%arg17 : memref<!tpu.dma_semaphore, #tpu.memory_space<semaphore_mem>>)
    %add3A_69 = arith.constant 384 : i32
    %add3A_70 = arith.addi %mul3A_50, %add3A_69 : i32
    %dma_start3A_71 = arith.constant 0 : i32
    %dma_start3A_72 = tpu.memref_slice %arg11[%add3A_70, %dma_start3A_71] : memref<10000x128xf32, #tpu.memory_space<vmem_shared>> -> memref<128x128xf32, #tpu.memory_space<vmem_shared>>
    %dma_start3A_73 = arith.constant 0 : i32
    %dma_start3A_74 = tpu.memref_slice %arg11[%add3A_70, %dma_start3A_73] : memref<10000x128xf32, #tpu.memory_space<vmem_shared>> -> memref<128x128xf32, #tpu.memory_space<vmem_shared>>
    tpu.enqueue_dma source(%arg10 : memref<128x128xf32, #tpu.memory_space<vmem>>) target(%dma_start3A_74 : memref<128x128xf32, #tpu.memory_space<vmem_shared>>) target_semaphore(%arg17 : memref<!tpu.dma_semaphore, #tpu.memory_space<semaphore_mem>>)
    %add3A_75 = arith.constant 512 : i32
    %add3A_76 = arith.addi %mul3A_50, %add3A_75 : i32
    %dma_start3A_77 = arith.constant 0 : i32
    %dma_start3A_78 = arith.constant 0 : i32
    %dma_start3A_79 = tpu.memref_slice %arg10[%dma_start3A_77, %dma_start3A_78] : memref<128x128xf32, #tpu.memory_space<vmem>> -> memref<112x128xf32, #tpu.memory_space<vmem>>
    %dma_start3A_80 = arith.constant 0 : i32
    %dma_start3A_81 = tpu.memref_slice %arg11[%add3A_76, %dma_start3A_80] : memref<10000x128xf32, #tpu.memory_space<vmem_shared>> -> memref<112x128xf32, #tpu.memory_space<vmem_shared>>
    %dma_start3A_82 = arith.constant 0 : i32
    %dma_start3A_83 = tpu.memref_slice %arg11[%add3A_76, %dma_start3A_82] : memref<10000x128xf32, #tpu.memory_space<vmem_shared>> -> memref<112x128xf32, #tpu.memory_space<vmem_shared>>
    %dma_start3A_84 = arith.constant 0 : i32
    %dma_start3A_85 = arith.constant 0 : i32
    %dma_start3A_86 = tpu.memref_slice %arg10[%dma_start3A_84, %dma_start3A_85] : memref<128x128xf32, #tpu.memory_space<vmem>> -> memref<112x128xf32, #tpu.memory_space<vmem>>
    tpu.enqueue_dma source(%dma_start3A_86 : memref<112x128xf32, #tpu.memory_space<vmem>>) target(%dma_start3A_83 : memref<112x128xf32, #tpu.memory_space<vmem_shared>>) target_semaphore(%arg17 : memref<!tpu.dma_semaphore, #tpu.memory_space<semaphore_mem>>)
    %dma_wait3A_87 = arith.constant 0 : i32
    %dma_wait3A_88 = tpu.memref_slice %arg11[%add3A_52, %dma_wait3A_87] : memref<10000x128xf32, #tpu.memory_space<vmem_shared>> -> memref<128x128xf32, #tpu.memory_space<vmem_shared>>
    %dma_wait3A_89 = arith.constant 0 : i32
    %dma_wait3A_90 = tpu.memref_slice %arg11[%add3A_52, %dma_wait3A_89] : memref<10000x128xf32, #tpu.memory_space<vmem_shared>> -> memref<128x128xf32, #tpu.memory_space<vmem_shared>>
    tpu.wait_dma2 semaphore(%arg17 : memref<!tpu.dma_semaphore, #tpu.memory_space<semaphore_mem>>) src(%arg10 : memref<128x128xf32, #tpu.memory_space<vmem>>) dst(%dma_wait3A_90 : memref<128x128xf32, #tpu.memory_space<vmem_shared>>)
    %dma_wait3A_91 = arith.constant 0 : i32
    %dma_wait3A_92 = tpu.memref_slice %arg11[%add3A_58, %dma_wait3A_91] : memref<10000x128xf32, #tpu.memory_space<vmem_shared>> -> memref<128x128xf32, #tpu.memory_space<vmem_shared>>
    %dma_wait3A_93 = arith.constant 0 : i32
    %dma_wait3A_94 = tpu.memref_slice %arg11[%add3A_58, %dma_wait3A_93] : memref<10000x128xf32, #tpu.memory_space<vmem_shared>> -> memref<128x128xf32, #tpu.memory_space<vmem_shared>>
    tpu.wait_dma2 semaphore(%arg17 : memref<!tpu.dma_semaphore, #tpu.memory_space<semaphore_mem>>) src(%arg10 : memref<128x128xf32, #tpu.memory_space<vmem>>) dst(%dma_wait3A_94 : memref<128x128xf32, #tpu.memory_space<vmem_shared>>)
    %dma_wait3A_95 = arith.constant 0 : i32
    %dma_wait3A_96 = tpu.memref_slice %arg11[%add3A_64, %dma_wait3A_95] : memref<10000x128xf32, #tpu.memory_space<vmem_shared>> -> memref<128x128xf32, #tpu.memory_space<vmem_shared>>
    %dma_wait3A_97 = arith.constant 0 : i32
    %dma_wait3A_98 = tpu.memref_slice %arg11[%add3A_64, %dma_wait3A_97] : memref<10000x128xf32, #tpu.memory_space<vmem_shared>> -> memref<128x128xf32, #tpu.memory_space<vmem_shared>>
    tpu.wait_dma2 semaphore(%arg17 : memref<!tpu.dma_semaphore, #tpu.memory_space<semaphore_mem>>) src(%arg10 : memref<128x128xf32, #tpu.memory_space<vmem>>) dst(%dma_wait3A_98 : memref<128x128xf32, #tpu.memory_space<vmem_shared>>)
    %dma_wait3A_99 = arith.constant 0 : i32
    %dma_wait3A_100 = tpu.memref_slice %arg11[%add3A_70, %dma_wait3A_99] : memref<10000x128xf32, #tpu.memory_space<vmem_shared>> -> memref<128x128xf32, #tpu.memory_space<vmem_shared>>
    %dma_wait3A_101 = arith.constant 0 : i32
    %dma_wait3A_102 = tpu.memref_slice %arg11[%add3A_70, %dma_wait3A_101] : memref<10000x128xf32, #tpu.memory_space<vmem_shared>> -> memref<128x128xf32, #tpu.memory_space<vmem_shared>>
    tpu.wait_dma2 semaphore(%arg17 : memref<!tpu.dma_semaphore, #tpu.memory_space<semaphore_mem>>) src(%arg10 : memref<128x128xf32, #tpu.memory_space<vmem>>) dst(%dma_wait3A_102 : memref<128x128xf32, #tpu.memory_space<vmem_shared>>)
    %dma_wait3A_103 = arith.constant 0 : i32
    %dma_wait3A_104 = arith.constant 0 : i32
    %dma_wait3A_105 = tpu.memref_slice %arg10[%dma_wait3A_103, %dma_wait3A_104] : memref<128x128xf32, #tpu.memory_space<vmem>> -> memref<112x128xf32, #tpu.memory_space<vmem>>
    %dma_wait3A_106 = arith.constant 0 : i32
    %dma_wait3A_107 = tpu.memref_slice %arg11[%add3A_76, %dma_wait3A_106] : memref<10000x128xf32, #tpu.memory_space<vmem_shared>> -> memref<112x128xf32, #tpu.memory_space<vmem_shared>>
    %dma_wait3A_108 = arith.constant 0 : i32
    %dma_wait3A_109 = tpu.memref_slice %arg11[%add3A_76, %dma_wait3A_108] : memref<10000x128xf32, #tpu.memory_space<vmem_shared>> -> memref<112x128xf32, #tpu.memory_space<vmem_shared>>
    %dma_wait3A_110 = arith.constant 0 : i32
    %dma_wait3A_111 = arith.constant 0 : i32
    %dma_wait3A_112 = tpu.memref_slice %arg10[%dma_wait3A_110, %dma_wait3A_111] : memref<128x128xf32, #tpu.memory_space<vmem>> -> memref<112x128xf32, #tpu.memory_space<vmem>>
    tpu.wait_dma2 semaphore(%arg17 : memref<!tpu.dma_semaphore, #tpu.memory_space<semaphore_mem>>) src(%dma_wait3A_112 : memref<112x128xf32, #tpu.memory_space<vmem>>) dst(%dma_wait3A_109 : memref<112x128xf32, #tpu.memory_space<vmem_shared>>)
    %eq3A = arith.constant 0 : i32
    %eq3A_113 = arith.cmpi eq, %arg1, %eq3A : i32
    %convert_element_type3A = arith.extui %eq3A_113 : i1 to i32
    %cond3A = arith.constant 0 : i32
    %cond3A_114 = arith.cmpi ne, %convert_element_type3A, %cond3A : i32
    scf.if %cond3A_114 {
      "tpu.region"() ({
        %run_scoped3A_158 = tpu.sem_alloc : memref<!tpu.dma_semaphore, #tpu.memory_space<semaphore_mem>>
        %dma_start3A_159 = arith.constant 0 : i32
        %dma_start3A_160 = arith.constant 0 : i32
        %dma_start3A_161 = tpu.memref_slice %arg10[%dma_start3A_159, %dma_start3A_160] : memref<128x128xf32, #tpu.memory_space<vmem>> -> memref<16x128xf32, #tpu.memory_space<vmem>>
        %dma_start3A_162 = arith.constant 9984 : i32
        %dma_start3A_163 = arith.constant 0 : i32
        %dma_start3A_164 = tpu.memref_slice %arg11[%dma_start3A_162, %dma_start3A_163] : memref<10000x128xf32, #tpu.memory_space<vmem_shared>> -> memref<16x128xf32, #tpu.memory_space<vmem_shared>>
        %dma_start3A_165 = arith.constant 9984 : i32
        %dma_start3A_166 = arith.constant 0 : i32
        %dma_start3A_167 = tpu.memref_slice %arg11[%dma_start3A_165, %dma_start3A_166] : memref<10000x128xf32, #tpu.memory_space<vmem_shared>> -> memref<16x128xf32, #tpu.memory_space<vmem_shared>>
        %dma_start3A_168 = arith.constant 0 : i32
        %dma_start3A_169 = arith.constant 0 : i32
        %dma_start3A_170 = tpu.memref_slice %arg10[%dma_start3A_168, %dma_start3A_169] : memref<128x128xf32, #tpu.memory_space<vmem>> -> memref<16x128xf32, #tpu.memory_space<vmem>>
        tpu.enqueue_dma source(%dma_start3A_170 : memref<16x128xf32, #tpu.memory_space<vmem>>) target(%dma_start3A_167 : memref<16x128xf32, #tpu.memory_space<vmem_shared>>) target_semaphore(%run_scoped3A_158 : memref<!tpu.dma_semaphore, #tpu.memory_space<semaphore_mem>>)
        %dma_wait3A_171 = arith.constant 0 : i32
        %dma_wait3A_172 = arith.constant 0 : i32
        %dma_wait3A_173 = tpu.memref_slice %arg10[%dma_wait3A_171, %dma_wait3A_172] : memref<128x128xf32, #tpu.memory_space<vmem>> -> memref<16x128xf32, #tpu.memory_space<vmem>>
        %dma_wait3A_174 = arith.constant 9984 : i32
        %dma_wait3A_175 = arith.constant 0 : i32
        %dma_wait3A_176 = tpu.memref_slice %arg11[%dma_wait3A_174, %dma_wait3A_175] : memref<10000x128xf32, #tpu.memory_space<vmem_shared>> -> memref<16x128xf32, #tpu.memory_space<vmem_shared>>
        %dma_wait3A_177 = arith.constant 9984 : i32
        %dma_wait3A_178 = arith.constant 0 : i32
        %dma_wait3A_179 = tpu.memref_slice %arg11[%dma_wait3A_177, %dma_wait3A_178] : memref<10000x128xf32, #tpu.memory_space<vmem_shared>> -> memref<16x128xf32, #tpu.memory_space<vmem_shared>>
        %dma_wait3A_180 = arith.constant 0 : i32
        %dma_wait3A_181 = arith.constant 0 : i32
        %dma_wait3A_182 = tpu.memref_slice %arg10[%dma_wait3A_180, %dma_wait3A_181] : memref<128x128xf32, #tpu.memory_space<vmem>> -> memref<16x128xf32, #tpu.memory_space<vmem>>
        tpu.wait_dma2 semaphore(%run_scoped3A_158 : memref<!tpu.dma_semaphore, #tpu.memory_space<semaphore_mem>>) src(%dma_wait3A_182 : memref<16x128xf32, #tpu.memory_space<vmem>>) dst(%dma_wait3A_179 : memref<16x128xf32, #tpu.memory_space<vmem_shared>>)
        tpu.yield
      }) : () -> ()
    } else {
    }
    %dma_wait3A_115 = arith.constant 0 : i32
    %dma_wait3A_116 = arith.constant 0 : i32
    %dma_wait3A_117 = tpu.memref_slice %arg3[%dma_wait3A_115, %dma_wait3A_116] : memref<2x320000xi32, #tpu.memory_space<hbm>> -> memref<2x128xi32, #tpu.memory_space<hbm>>
    %dma_wait3A_118 = arith.constant 0 : i32
    %dma_wait3A_119 = arith.constant 0 : i32
    %dma_wait3A_120 = tpu.memref_slice %arg3[%dma_wait3A_118, %dma_wait3A_119] : memref<2x320000xi32, #tpu.memory_space<hbm>> -> memref<2x128xi32, #tpu.memory_space<hbm>>
    tpu.wait_dma2 semaphore(%arg13 : memref<!tpu.dma_semaphore, #tpu.memory_space<semaphore_mem>>) src(%dma_wait3A_120 : memref<2x128xi32, #tpu.memory_space<hbm>>) dst(%arg6 : memref<2x128xi32, #tpu.memory_space<vmem>>)
    %dma_start3A_121 = arith.constant 0 : i32
    %dma_start3A_122 = arith.constant 0 : i32
    %dma_start3A_123 = tpu.memref_slice %arg6[%dma_start3A_121, %dma_start3A_122] : memref<2x128xi32, #tpu.memory_space<vmem>> -> memref<1x128xi32, #tpu.memory_space<vmem>>
    %dma_start3A_124 = tpu.memref_squeeze %dma_start3A_123 : memref<1x128xi32, #tpu.memory_space<vmem>> -> memref<128xi32, #tpu.memory_space<vmem>>
    %dma_start3A_125 = arith.constant 0 : i32
    %dma_start3A_126 = arith.constant 0 : i32
    %dma_start3A_127 = tpu.memref_slice %arg2[%dma_start3A_125, %dma_start3A_126] : memref<10000x128xf32, #tpu.memory_space<hbm>> -> memref<10000x128xf32, #tpu.memory_space<hbm>>
    tpu.enqueue_indirect_dma source(%dma_start3A_127 : memref<10000x128xf32, #tpu.memory_space<hbm>>) target(%arg10 : memref<128x128xf32, #tpu.memory_space<vmem>>) offsets(%dma_start3A_124 : memref<128xi32, #tpu.memory_space<vmem>>) semaphore(%arg17 : memref<!tpu.dma_semaphore, #tpu.memory_space<semaphore_mem>>)
    %barrier3A = arith.constant 0 : index
    tpu.barrier barrier_id(%barrier3A)
    %scan3A_128 = arith.constant 0 : i32
    %scan3A_129 = arith.constant 19 : i32
    %scan3A_130 = arith.addi %scan3A_128, %scan3A_129 : i32
    %scan3A_131 = arith.constant 1 : i32
    scf.for %scan3A_158 = %scan3A_128 to %scan3A_130 step %scan3A_131  : i32 {
      %mul3A_159 = arith.constant 1 : i32
      %mul3A_160 = arith.muli %scan3A_158, %mul3A_159 : i32
      %add3A_161 = arith.constant 0 : i32
      %add3A_162 = arith.addi %add3A_161, %mul3A_160 : i32
      %mul3A_163 = arith.constant 4 : i32
      %mul3A_164 = arith.muli %mul3A_163, %add3A_162 : i32
      %add3A_165 = arith.constant 0 : i32
      %add3A_166 = arith.addi %mul3A_164, %add3A_165 : i32
      %dma_wait3A_167 = arith.constant 0 : i32
      %dma_wait3A_168 = arith.constant 0 : i32
      %dma_wait3A_169 = tpu.memref_slice %arg5[%dma_wait3A_167, %dma_wait3A_168] : memref<2x128xi32, #tpu.memory_space<vmem>> -> memref<1x128xi32, #tpu.memory_space<vmem>>
      %dma_wait3A_170 = tpu.memref_squeeze %dma_wait3A_169 : memref<1x128xi32, #tpu.memory_space<vmem>> -> memref<128xi32, #tpu.memory_space<vmem>>
      %dma_wait3A_171 = arith.constant 0 : i32
      %dma_wait3A_172 = arith.constant 0 : i32
      %dma_wait3A_173 = tpu.memref_slice %arg2[%dma_wait3A_171, %dma_wait3A_172] : memref<10000x128xf32, #tpu.memory_space<hbm>> -> memref<10000x128xf32, #tpu.memory_space<hbm>>
      tpu.wait_indirect_dma semaphore(%arg16 : memref<!tpu.dma_semaphore, #tpu.memory_space<semaphore_mem>>) src(%dma_wait3A_173 : memref<10000x128xf32, #tpu.memory_space<hbm>>) dst(%arg9 : memref<128x128xf32, #tpu.memory_space<vmem>>)
      %run_scoped3A_174 = arith.constant 1 : i32
      "tpu.region"() ({
        %run_scoped3A_261 = tpu.sem_alloc : memref<!tpu.dma_semaphore, #tpu.memory_space<semaphore_mem>>
        %dma_start3A_262 = arith.constant 0 : i32
        %dma_start3A_263 = tpu.memref_slice %arg5[%run_scoped3A_174, %dma_start3A_262] : memref<2x128xi32, #tpu.memory_space<vmem>> -> memref<1x128xi32, #tpu.memory_space<vmem>>
        %dma_start3A_264 = tpu.memref_squeeze %dma_start3A_263 : memref<1x128xi32, #tpu.memory_space<vmem>> -> memref<128xi32, #tpu.memory_space<vmem>>
        %dma_start3A_265 = arith.constant 0 : i32
        %dma_start3A_266 = arith.constant 0 : i32
        %dma_start3A_267 = tpu.memref_slice %arg11[%dma_start3A_265, %dma_start3A_266] : memref<10000x128xf32, #tpu.memory_space<vmem_shared>> -> memref<10000x128xf32, #tpu.memory_space<vmem_shared>>
        tpu.enqueue_indirect_dma source(%arg9 : memref<128x128xf32, #tpu.memory_space<vmem>>) target(%dma_start3A_267 : memref<10000x128xf32, #tpu.memory_space<vmem_shared>>) offsets(%dma_start3A_264 : memref<128xi32, #tpu.memory_space<vmem>>) semaphore(%run_scoped3A_261 : memref<!tpu.dma_semaphore, #tpu.memory_space<semaphore_mem>>) {add = true}
        %dma_wait3A_268 = arith.constant 0 : i32
        %dma_wait3A_269 = tpu.memref_slice %arg5[%run_scoped3A_174, %dma_wait3A_268] : memref<2x128xi32, #tpu.memory_space<vmem>> -> memref<1x128xi32, #tpu.memory_space<vmem>>
        %dma_wait3A_270 = tpu.memref_squeeze %dma_wait3A_269 : memref<1x128xi32, #tpu.memory_space<vmem>> -> memref<128xi32, #tpu.memory_space<vmem>>
        %dma_wait3A_271 = arith.constant 0 : i32
        %dma_wait3A_272 = arith.constant 0 : i32
        %dma_wait3A_273 = tpu.memref_slice %arg11[%dma_wait3A_271, %dma_wait3A_272] : memref<10000x128xf32, #tpu.memory_space<vmem_shared>> -> memref<10000x128xf32, #tpu.memory_space<vmem_shared>>
        tpu.wait_indirect_dma semaphore(%run_scoped3A_261 : memref<!tpu.dma_semaphore, #tpu.memory_space<semaphore_mem>>) src(%arg9 : memref<128x128xf32, #tpu.memory_space<vmem>>) dst(%dma_wait3A_273 : memref<10000x128xf32, #tpu.memory_space<vmem_shared>>)
        tpu.yield
      }) : () -> ()
      %add3A_175 = arith.constant 4 : i32
      %add3A_176 = arith.addi %add3A_166, %add3A_175 : i32
      %lt3A_177 = arith.constant 78 : i32
      %lt3A_178 = arith.cmpi slt, %add3A_176, %lt3A_177 : i32
      %convert_element_type3A_179 = arith.extui %lt3A_178 : i1 to i32
      %cond3A_180 = arith.constant 0 : i32
      %cond3A_181 = arith.cmpi ne, %convert_element_type3A_179, %cond3A_180 : i32
      scf.if %cond3A_181 {
        %add3A_261 = arith.constant 4 : i32
        %add3A_262 = arith.addi %add3A_166, %add3A_261 : i32
        %mul3A_263 = arith.constant 32 : i32
        %mul3A_264 = arith.muli %mul3A_263, %add3A_262 : i32
        %add3A_265 = arith.addi %add3A, %mul3A_264 : i32
        %mul3A_266 = arith.constant 128 : i32
        %mul3A_267 = arith.muli %add3A_265, %mul3A_266 : i32
        %dma_start3A_268 = arith.constant 0 : i32
        %dma_start3A_269 = tpu.memref_slice %arg3[%dma_start3A_268, %mul3A_267] : memref<2x320000xi32, #tpu.memory_space<hbm>> -> memref<2x128xi32, #tpu.memory_space<hbm>>
        %dma_start3A_270 = arith.constant 0 : i32
        %dma_start3A_271 = tpu.memref_slice %arg3[%dma_start3A_270, %mul3A_267] : memref<2x320000xi32, #tpu.memory_space<hbm>> -> memref<2x128xi32, #tpu.memory_space<hbm>>
        tpu.enqueue_dma source(%dma_start3A_271 : memref<2x128xi32, #tpu.memory_space<hbm>>) target(%arg5 : memref<2x128xi32, #tpu.memory_space<vmem>>) target_semaphore(%arg12 : memref<!tpu.dma_semaphore, #tpu.memory_space<semaphore_mem>>)
      } else {
      }
      %add3A_182 = arith.constant 2 : i32
      %add3A_183 = arith.addi %add3A_166, %add3A_182 : i32
      %lt3A_184 = arith.constant 78 : i32
      %lt3A_185 = arith.cmpi slt, %add3A_183, %lt3A_184 : i32
      %convert_element_type3A_186 = arith.extui %lt3A_185 : i1 to i32
      %cond3A_187 = arith.constant 0 : i32
      %cond3A_188 = arith.cmpi ne, %convert_element_type3A_186, %cond3A_187 : i32
      scf.if %cond3A_188 {
        %dma_wait3A_261 = arith.constant 0 : i32
        %dma_wait3A_262 = arith.constant 0 : i32
        %dma_wait3A_263 = tpu.memref_slice %arg3[%dma_wait3A_261, %dma_wait3A_262] : memref<2x320000xi32, #tpu.memory_space<hbm>> -> memref<2x128xi32, #tpu.memory_space<hbm>>
        %dma_wait3A_264 = arith.constant 0 : i32
        %dma_wait3A_265 = arith.constant 0 : i32
        %dma_wait3A_266 = tpu.memref_slice %arg3[%dma_wait3A_264, %dma_wait3A_265] : memref<2x320000xi32, #tpu.memory_space<hbm>> -> memref<2x128xi32, #tpu.memory_space<hbm>>
        tpu.wait_dma2 semaphore(%arg14 : memref<!tpu.dma_semaphore, #tpu.memory_space<semaphore_mem>>) src(%dma_wait3A_266 : memref<2x128xi32, #tpu.memory_space<hbm>>) dst(%arg7 : memref<2x128xi32, #tpu.memory_space<vmem>>)
        %add3A_267 = arith.constant 2 : i32
        %add3A_268 = arith.addi %add3A_166, %add3A_267 : i32
        %dma_start3A_269 = arith.constant 0 : i32
        %dma_start3A_270 = arith.constant 0 : i32
        %dma_start3A_271 = tpu.memref_slice %arg7[%dma_start3A_269, %dma_start3A_270] : memref<2x128xi32, #tpu.memory_space<vmem>> -> memref<1x128xi32, #tpu.memory_space<vmem>>
        %dma_start3A_272 = tpu.memref_squeeze %dma_start3A_271 : memref<1x128xi32, #tpu.memory_space<vmem>> -> memref<128xi32, #tpu.memory_space<vmem>>
        %dma_start3A_273 = arith.constant 0 : i32
        %dma_start3A_274 = arith.constant 0 : i32
        %dma_start3A_275 = tpu.memref_slice %arg2[%dma_start3A_273, %dma_start3A_274] : memref<10000x128xf32, #tpu.memory_space<hbm>> -> memref<10000x128xf32, #tpu.memory_space<hbm>>
        tpu.enqueue_indirect_dma source(%dma_start3A_275 : memref<10000x128xf32, #tpu.memory_space<hbm>>) target(%arg9 : memref<128x128xf32, #tpu.memory_space<vmem>>) offsets(%dma_start3A_272 : memref<128xi32, #tpu.memory_space<vmem>>) semaphore(%arg16 : memref<!tpu.dma_semaphore, #tpu.memory_space<semaphore_mem>>)
      } else {
      }
      %add3A_189 = arith.constant 1 : i32
      %add3A_190 = arith.addi %mul3A_164, %add3A_189 : i32
      %dma_wait3A_191 = arith.constant 0 : i32
      %dma_wait3A_192 = arith.constant 0 : i32
      %dma_wait3A_193 = tpu.memref_slice %arg5[%dma_wait3A_191, %dma_wait3A_192] : memref<2x128xi32, #tpu.memory_space<vmem>> -> memref<1x128xi32, #tpu.memory_space<vmem>>
      %dma_wait3A_194 = tpu.memref_squeeze %dma_wait3A_193 : memref<1x128xi32, #tpu.memory_space<vmem>> -> memref<128xi32, #tpu.memory_space<vmem>>
      %dma_wait3A_195 = arith.constant 0 : i32
      %dma_wait3A_196 = arith.constant 0 : i32
      %dma_wait3A_197 = tpu.memref_slice %arg2[%dma_wait3A_195, %dma_wait3A_196] : memref<10000x128xf32, #tpu.memory_space<hbm>> -> memref<10000x128xf32, #tpu.memory_space<hbm>>
      tpu.wait_indirect_dma semaphore(%arg17 : memref<!tpu.dma_semaphore, #tpu.memory_space<semaphore_mem>>) src(%dma_wait3A_197 : memref<10000x128xf32, #tpu.memory_space<hbm>>) dst(%arg10 : memref<128x128xf32, #tpu.memory_space<vmem>>)
      %run_scoped3A_198 = arith.constant 1 : i32
      "tpu.region"() ({
        %run_scoped3A_261 = tpu.sem_alloc : memref<!tpu.dma_semaphore, #tpu.memory_space<semaphore_mem>>
        %dma_start3A_262 = arith.constant 0 : i32
        %dma_start3A_263 = tpu.memref_slice %arg6[%run_scoped3A_198, %dma_start3A_262] : memref<2x128xi32, #tpu.memory_space<vmem>> -> memref<1x128xi32, #tpu.memory_space<vmem>>
        %dma_start3A_264 = tpu.memref_squeeze %dma_start3A_263 : memref<1x128xi32, #tpu.memory_space<vmem>> -> memref<128xi32, #tpu.memory_space<vmem>>
        %dma_start3A_265 = arith.constant 0 : i32
        %dma_start3A_266 = arith.constant 0 : i32
        %dma_start3A_267 = tpu.memref_slice %arg11[%dma_start3A_265, %dma_start3A_266] : memref<10000x128xf32, #tpu.memory_space<vmem_shared>> -> memref<10000x128xf32, #tpu.memory_space<vmem_shared>>
        tpu.enqueue_indirect_dma source(%arg10 : memref<128x128xf32, #tpu.memory_space<vmem>>) target(%dma_start3A_267 : memref<10000x128xf32, #tpu.memory_space<vmem_shared>>) offsets(%dma_start3A_264 : memref<128xi32, #tpu.memory_space<vmem>>) semaphore(%run_scoped3A_261 : memref<!tpu.dma_semaphore, #tpu.memory_space<semaphore_mem>>) {add = true}
        %dma_wait3A_268 = arith.constant 0 : i32
        %dma_wait3A_269 = tpu.memref_slice %arg6[%run_scoped3A_198, %dma_wait3A_268] : memref<2x128xi32, #tpu.memory_space<vmem>> -> memref<1x128xi32, #tpu.memory_space<vmem>>
        %dma_wait3A_270 = tpu.memref_squeeze %dma_wait3A_269 : memref<1x128xi32, #tpu.memory_space<vmem>> -> memref<128xi32, #tpu.memory_space<vmem>>
        %dma_wait3A_271 = arith.constant 0 : i32
        %dma_wait3A_272 = arith.constant 0 : i32
        %dma_wait3A_273 = tpu.memref_slice %arg11[%dma_wait3A_271, %dma_wait3A_272] : memref<10000x128xf32, #tpu.memory_space<vmem_shared>> -> memref<10000x128xf32, #tpu.memory_space<vmem_shared>>
        tpu.wait_indirect_dma semaphore(%run_scoped3A_261 : memref<!tpu.dma_semaphore, #tpu.memory_space<semaphore_mem>>) src(%arg10 : memref<128x128xf32, #tpu.memory_space<vmem>>) dst(%dma_wait3A_273 : memref<10000x128xf32, #tpu.memory_space<vmem_shared>>)
        tpu.yield
      }) : () -> ()
      %add3A_199 = arith.constant 4 : i32
      %add3A_200 = arith.addi %add3A_190, %add3A_199 : i32
      %lt3A_201 = arith.constant 78 : i32
      %lt3A_202 = arith.cmpi slt, %add3A_200, %lt3A_201 : i32
      %convert_element_type3A_203 = arith.extui %lt3A_202 : i1 to i32
      %cond3A_204 = arith.constant 0 : i32
      %cond3A_205 = arith.cmpi ne, %convert_element_type3A_203, %cond3A_204 : i32
      scf.if %cond3A_205 {
        %add3A_261 = arith.constant 4 : i32
        %add3A_262 = arith.addi %add3A_190, %add3A_261 : i32
        %mul3A_263 = arith.constant 32 : i32
        %mul3A_264 = arith.muli %mul3A_263, %add3A_262 : i32
        %add3A_265 = arith.addi %add3A, %mul3A_264 : i32
        %mul3A_266 = arith.constant 128 : i32
        %mul3A_267 = arith.muli %add3A_265, %mul3A_266 : i32
        %dma_start3A_268 = arith.constant 0 : i32
        %dma_start3A_269 = tpu.memref_slice %arg3[%dma_start3A_268, %mul3A_267] : memref<2x320000xi32, #tpu.memory_space<hbm>> -> memref<2x128xi32, #tpu.memory_space<hbm>>
        %dma_start3A_270 = arith.constant 0 : i32
        %dma_start3A_271 = tpu.memref_slice %arg3[%dma_start3A_270, %mul3A_267] : memref<2x320000xi32, #tpu.memory_space<hbm>> -> memref<2x128xi32, #tpu.memory_space<hbm>>
        tpu.enqueue_dma source(%dma_start3A_271 : memref<2x128xi32, #tpu.memory_space<hbm>>) target(%arg6 : memref<2x128xi32, #tpu.memory_space<vmem>>) target_semaphore(%arg13 : memref<!tpu.dma_semaphore, #tpu.memory_space<semaphore_mem>>)
      } else {
      }
      %add3A_206 = arith.constant 2 : i32
      %add3A_207 = arith.addi %add3A_190, %add3A_206 : i32
      %lt3A_208 = arith.constant 78 : i32
      %lt3A_209 = arith.cmpi slt, %add3A_207, %lt3A_208 : i32
      %convert_element_type3A_210 = arith.extui %lt3A_209 : i1 to i32
      %cond3A_211 = arith.constant 0 : i32
      %cond3A_212 = arith.cmpi ne, %convert_element_type3A_210, %cond3A_211 : i32
      scf.if %cond3A_212 {
        %dma_wait3A_261 = arith.constant 0 : i32
        %dma_wait3A_262 = arith.constant 0 : i32
        %dma_wait3A_263 = tpu.memref_slice %arg3[%dma_wait3A_261, %dma_wait3A_262] : memref<2x320000xi32, #tpu.memory_space<hbm>> -> memref<2x128xi32, #tpu.memory_space<hbm>>
        %dma_wait3A_264 = arith.constant 0 : i32
        %dma_wait3A_265 = arith.constant 0 : i32
        %dma_wait3A_266 = tpu.memref_slice %arg3[%dma_wait3A_264, %dma_wait3A_265] : memref<2x320000xi32, #tpu.memory_space<hbm>> -> memref<2x128xi32, #tpu.memory_space<hbm>>
        tpu.wait_dma2 semaphore(%arg15 : memref<!tpu.dma_semaphore, #tpu.memory_space<semaphore_mem>>) src(%dma_wait3A_266 : memref<2x128xi32, #tpu.memory_space<hbm>>) dst(%arg8 : memref<2x128xi32, #tpu.memory_space<vmem>>)
        %add3A_267 = arith.constant 2 : i32
        %add3A_268 = arith.addi %add3A_190, %add3A_267 : i32
        %dma_start3A_269 = arith.constant 0 : i32
        %dma_start3A_270 = arith.constant 0 : i32
        %dma_start3A_271 = tpu.memref_slice %arg8[%dma_start3A_269, %dma_start3A_270] : memref<2x128xi32, #tpu.memory_space<vmem>> -> memref<1x128xi32, #tpu.memory_space<vmem>>
        %dma_start3A_272 = tpu.memref_squeeze %dma_start3A_271 : memref<1x128xi32, #tpu.memory_space<vmem>> -> memref<128xi32, #tpu.memory_space<vmem>>
        %dma_start3A_273 = arith.constant 0 : i32
        %dma_start3A_274 = arith.constant 0 : i32
        %dma_start3A_275 = tpu.memref_slice %arg2[%dma_start3A_273, %dma_start3A_274] : memref<10000x128xf32, #tpu.memory_space<hbm>> -> memref<10000x128xf32, #tpu.memory_space<hbm>>
        tpu.enqueue_indirect_dma source(%dma_start3A_275 : memref<10000x128xf32, #tpu.memory_space<hbm>>) target(%arg10 : memref<128x128xf32, #tpu.memory_space<vmem>>) offsets(%dma_start3A_272 : memref<128xi32, #tpu.memory_space<vmem>>) semaphore(%arg17 : memref<!tpu.dma_semaphore, #tpu.memory_space<semaphore_mem>>)
      } else {
      }
      %add3A_213 = arith.constant 2 : i32
      %add3A_214 = arith.addi %mul3A_164, %add3A_213 : i32
      %dma_wait3A_215 = arith.constant 0 : i32
      %dma_wait3A_216 = arith.constant 0 : i32
      %dma_wait3A_217 = tpu.memref_slice %arg5[%dma_wait3A_215, %dma_wait3A_216] : memref<2x128xi32, #tpu.memory_space<vmem>> -> memref<1x128xi32, #tpu.memory_space<vmem>>
      %dma_wait3A_218 = tpu.memref_squeeze %dma_wait3A_217 : memref<1x128xi32, #tpu.memory_space<vmem>> -> memref<128xi32, #tpu.memory_space<vmem>>
      %dma_wait3A_219 = arith.constant 0 : i32
      %dma_wait3A_220 = arith.constant 0 : i32
      %dma_wait3A_221 = tpu.memref_slice %arg2[%dma_wait3A_219, %dma_wait3A_220] : memref<10000x128xf32, #tpu.memory_space<hbm>> -> memref<10000x128xf32, #tpu.memory_space<hbm>>
      tpu.wait_indirect_dma semaphore(%arg16 : memref<!tpu.dma_semaphore, #tpu.memory_space<semaphore_mem>>) src(%dma_wait3A_221 : memref<10000x128xf32, #tpu.memory_space<hbm>>) dst(%arg9 : memref<128x128xf32, #tpu.memory_space<vmem>>)
      %run_scoped3A_222 = arith.constant 1 : i32
      "tpu.region"() ({
        %run_scoped3A_261 = tpu.sem_alloc : memref<!tpu.dma_semaphore, #tpu.memory_space<semaphore_mem>>
        %dma_start3A_262 = arith.constant 0 : i32
        %dma_start3A_263 = tpu.memref_slice %arg7[%run_scoped3A_222, %dma_start3A_262] : memref<2x128xi32, #tpu.memory_space<vmem>> -> memref<1x128xi32, #tpu.memory_space<vmem>>
        %dma_start3A_264 = tpu.memref_squeeze %dma_start3A_263 : memref<1x128xi32, #tpu.memory_space<vmem>> -> memref<128xi32, #tpu.memory_space<vmem>>
        %dma_start3A_265 = arith.constant 0 : i32
        %dma_start3A_266 = arith.constant 0 : i32
        %dma_start3A_267 = tpu.memref_slice %arg11[%dma_start3A_265, %dma_start3A_266] : memref<10000x128xf32, #tpu.memory_space<vmem_shared>> -> memref<10000x128xf32, #tpu.memory_space<vmem_shared>>
        tpu.enqueue_indirect_dma source(%arg9 : memref<128x128xf32, #tpu.memory_space<vmem>>) target(%dma_start3A_267 : memref<10000x128xf32, #tpu.memory_space<vmem_shared>>) offsets(%dma_start3A_264 : memref<128xi32, #tpu.memory_space<vmem>>) semaphore(%run_scoped3A_261 : memref<!tpu.dma_semaphore, #tpu.memory_space<semaphore_mem>>) {add = true}
        %dma_wait3A_268 = arith.constant 0 : i32
        %dma_wait3A_269 = tpu.memref_slice %arg7[%run_scoped3A_222, %dma_wait3A_268] : memref<2x128xi32, #tpu.memory_space<vmem>> -> memref<1x128xi32, #tpu.memory_space<vmem>>
        %dma_wait3A_270 = tpu.memref_squeeze %dma_wait3A_269 : memref<1x128xi32, #tpu.memory_space<vmem>> -> memref<128xi32, #tpu.memory_space<vmem>>
        %dma_wait3A_271 = arith.constant 0 : i32
        %dma_wait3A_272 = arith.constant 0 : i32
        %dma_wait3A_273 = tpu.memref_slice %arg11[%dma_wait3A_271, %dma_wait3A_272] : memref<10000x128xf32, #tpu.memory_space<vmem_shared>> -> memref<10000x128xf32, #tpu.memory_space<vmem_shared>>
        tpu.wait_indirect_dma semaphore(%run_scoped3A_261 : memref<!tpu.dma_semaphore, #tpu.memory_space<semaphore_mem>>) src(%arg9 : memref<128x128xf32, #tpu.memory_space<vmem>>) dst(%dma_wait3A_273 : memref<10000x128xf32, #tpu.memory_space<vmem_shared>>)
        tpu.yield
      }) : () -> ()
      %add3A_223 = arith.constant 4 : i32
      %add3A_224 = arith.addi %add3A_214, %add3A_223 : i32
      %lt3A_225 = arith.constant 78 : i32
      %lt3A_226 = arith.cmpi slt, %add3A_224, %lt3A_225 : i32
      %convert_element_type3A_227 = arith.extui %lt3A_226 : i1 to i32
      %cond3A_228 = arith.constant 0 : i32
      %cond3A_229 = arith.cmpi ne, %convert_element_type3A_227, %cond3A_228 : i32
      scf.if %cond3A_229 {
        %add3A_261 = arith.constant 4 : i32
        %add3A_262 = arith.addi %add3A_214, %add3A_261 : i32
        %mul3A_263 = arith.constant 32 : i32
        %mul3A_264 = arith.muli %mul3A_263, %add3A_262 : i32
        %add3A_265 = arith.addi %add3A, %mul3A_264 : i32
        %mul3A_266 = arith.constant 128 : i32
        %mul3A_267 = arith.muli %add3A_265, %mul3A_266 : i32
        %dma_start3A_268 = arith.constant 0 : i32
        %dma_start3A_269 = tpu.memref_slice %arg3[%dma_start3A_268, %mul3A_267] : memref<2x320000xi32, #tpu.memory_space<hbm>> -> memref<2x128xi32, #tpu.memory_space<hbm>>
        %dma_start3A_270 = arith.constant 0 : i32
        %dma_start3A_271 = tpu.memref_slice %arg3[%dma_start3A_270, %mul3A_267] : memref<2x320000xi32, #tpu.memory_space<hbm>> -> memref<2x128xi32, #tpu.memory_space<hbm>>
        tpu.enqueue_dma source(%dma_start3A_271 : memref<2x128xi32, #tpu.memory_space<hbm>>) target(%arg7 : memref<2x128xi32, #tpu.memory_space<vmem>>) target_semaphore(%arg14 : memref<!tpu.dma_semaphore, #tpu.memory_space<semaphore_mem>>)
      } else {
      }
      %add3A_230 = arith.constant 2 : i32
      %add3A_231 = arith.addi %add3A_214, %add3A_230 : i32
      %lt3A_232 = arith.constant 78 : i32
      %lt3A_233 = arith.cmpi slt, %add3A_231, %lt3A_232 : i32
      %convert_element_type3A_234 = arith.extui %lt3A_233 : i1 to i32
      %cond3A_235 = arith.constant 0 : i32
      %cond3A_236 = arith.cmpi ne, %convert_element_type3A_234, %cond3A_235 : i32
      scf.if %cond3A_236 {
        %dma_wait3A_261 = arith.constant 0 : i32
        %dma_wait3A_262 = arith.constant 0 : i32
        %dma_wait3A_263 = tpu.memref_slice %arg3[%dma_wait3A_261, %dma_wait3A_262] : memref<2x320000xi32, #tpu.memory_space<hbm>> -> memref<2x128xi32, #tpu.memory_space<hbm>>
        %dma_wait3A_264 = arith.constant 0 : i32
        %dma_wait3A_265 = arith.constant 0 : i32
        %dma_wait3A_266 = tpu.memref_slice %arg3[%dma_wait3A_264, %dma_wait3A_265] : memref<2x320000xi32, #tpu.memory_space<hbm>> -> memref<2x128xi32, #tpu.memory_space<hbm>>
        tpu.wait_dma2 semaphore(%arg12 : memref<!tpu.dma_semaphore, #tpu.memory_space<semaphore_mem>>) src(%dma_wait3A_266 : memref<2x128xi32, #tpu.memory_space<hbm>>) dst(%arg5 : memref<2x128xi32, #tpu.memory_space<vmem>>)
        %add3A_267 = arith.constant 2 : i32
        %add3A_268 = arith.addi %add3A_214, %add3A_267 : i32
        %dma_start3A_269 = arith.constant 0 : i32
        %dma_start3A_270 = arith.constant 0 : i32
        %dma_start3A_271 = tpu.memref_slice %arg5[%dma_start3A_269, %dma_start3A_270] : memref<2x128xi32, #tpu.memory_space<vmem>> -> memref<1x128xi32, #tpu.memory_space<vmem>>
        %dma_start3A_272 = tpu.memref_squeeze %dma_start3A_271 : memref<1x128xi32, #tpu.memory_space<vmem>> -> memref<128xi32, #tpu.memory_space<vmem>>
        %dma_start3A_273 = arith.constant 0 : i32
        %dma_start3A_274 = arith.constant 0 : i32
        %dma_start3A_275 = tpu.memref_slice %arg2[%dma_start3A_273, %dma_start3A_274] : memref<10000x128xf32, #tpu.memory_space<hbm>> -> memref<10000x128xf32, #tpu.memory_space<hbm>>
        tpu.enqueue_indirect_dma source(%dma_start3A_275 : memref<10000x128xf32, #tpu.memory_space<hbm>>) target(%arg9 : memref<128x128xf32, #tpu.memory_space<vmem>>) offsets(%dma_start3A_272 : memref<128xi32, #tpu.memory_space<vmem>>) semaphore(%arg16 : memref<!tpu.dma_semaphore, #tpu.memory_space<semaphore_mem>>)
      } else {
      }
      %add3A_237 = arith.constant 3 : i32
      %add3A_238 = arith.addi %mul3A_164, %add3A_237 : i32
      %dma_wait3A_239 = arith.constant 0 : i32
      %dma_wait3A_240 = arith.constant 0 : i32
      %dma_wait3A_241 = tpu.memref_slice %arg5[%dma_wait3A_239, %dma_wait3A_240] : memref<2x128xi32, #tpu.memory_space<vmem>> -> memref<1x128xi32, #tpu.memory_space<vmem>>
      %dma_wait3A_242 = tpu.memref_squeeze %dma_wait3A_241 : memref<1x128xi32, #tpu.memory_space<vmem>> -> memref<128xi32, #tpu.memory_space<vmem>>
      %dma_wait3A_243 = arith.constant 0 : i32
      %dma_wait3A_244 = arith.constant 0 : i32
      %dma_wait3A_245 = tpu.memref_slice %arg2[%dma_wait3A_243, %dma_wait3A_244] : memref<10000x128xf32, #tpu.memory_space<hbm>> -> memref<10000x128xf32, #tpu.memory_space<hbm>>
      tpu.wait_indirect_dma semaphore(%arg17 : memref<!tpu.dma_semaphore, #tpu.memory_space<semaphore_mem>>) src(%dma_wait3A_245 : memref<10000x128xf32, #tpu.memory_space<hbm>>) dst(%arg10 : memref<128x128xf32, #tpu.memory_space<vmem>>)
      %run_scoped3A_246 = arith.constant 1 : i32
      "tpu.region"() ({
        %run_scoped3A_261 = tpu.sem_alloc : memref<!tpu.dma_semaphore, #tpu.memory_space<semaphore_mem>>
        %dma_start3A_262 = arith.constant 0 : i32
        %dma_start3A_263 = tpu.memref_slice %arg8[%run_scoped3A_246, %dma_start3A_262] : memref<2x128xi32, #tpu.memory_space<vmem>> -> memref<1x128xi32, #tpu.memory_space<vmem>>
        %dma_start3A_264 = tpu.memref_squeeze %dma_start3A_263 : memref<1x128xi32, #tpu.memory_space<vmem>> -> memref<128xi32, #tpu.memory_space<vmem>>
        %dma_start3A_265 = arith.constant 0 : i32
        %dma_start3A_266 = arith.constant 0 : i32
        %dma_start3A_267 = tpu.memref_slice %arg11[%dma_start3A_265, %dma_start3A_266] : memref<10000x128xf32, #tpu.memory_space<vmem_shared>> -> memref<10000x128xf32, #tpu.memory_space<vmem_shared>>
        tpu.enqueue_indirect_dma source(%arg10 : memref<128x128xf32, #tpu.memory_space<vmem>>) target(%dma_start3A_267 : memref<10000x128xf32, #tpu.memory_space<vmem_shared>>) offsets(%dma_start3A_264 : memref<128xi32, #tpu.memory_space<vmem>>) semaphore(%run_scoped3A_261 : memref<!tpu.dma_semaphore, #tpu.memory_space<semaphore_mem>>) {add = true}
        %dma_wait3A_268 = arith.constant 0 : i32
        %dma_wait3A_269 = tpu.memref_slice %arg8[%run_scoped3A_246, %dma_wait3A_268] : memref<2x128xi32, #tpu.memory_space<vmem>> -> memref<1x128xi32, #tpu.memory_space<vmem>>
        %dma_wait3A_270 = tpu.memref_squeeze %dma_wait3A_269 : memref<1x128xi32, #tpu.memory_space<vmem>> -> memref<128xi32, #tpu.memory_space<vmem>>
        %dma_wait3A_271 = arith.constant 0 : i32
        %dma_wait3A_272 = arith.constant 0 : i32
        %dma_wait3A_273 = tpu.memref_slice %arg11[%dma_wait3A_271, %dma_wait3A_272] : memref<10000x128xf32, #tpu.memory_space<vmem_shared>> -> memref<10000x128xf32, #tpu.memory_space<vmem_shared>>
        tpu.wait_indirect_dma semaphore(%run_scoped3A_261 : memref<!tpu.dma_semaphore, #tpu.memory_space<semaphore_mem>>) src(%arg10 : memref<128x128xf32, #tpu.memory_space<vmem>>) dst(%dma_wait3A_273 : memref<10000x128xf32, #tpu.memory_space<vmem_shared>>)
        tpu.yield
      }) : () -> ()
      %add3A_247 = arith.constant 4 : i32
      %add3A_248 = arith.addi %add3A_238, %add3A_247 : i32
      %lt3A_249 = arith.constant 78 : i32
      %lt3A_250 = arith.cmpi slt, %add3A_248, %lt3A_249 : i32
      %convert_element_type3A_251 = arith.extui %lt3A_250 : i1 to i32
      %cond3A_252 = arith.constant 0 : i32
      %cond3A_253 = arith.cmpi ne, %convert_element_type3A_251, %cond3A_252 : i32
      scf.if %cond3A_253 {
        %add3A_261 = arith.constant 4 : i32
        %add3A_262 = arith.addi %add3A_238, %add3A_261 : i32
        %mul3A_263 = arith.constant 32 : i32
        %mul3A_264 = arith.muli %mul3A_263, %add3A_262 : i32
        %add3A_265 = arith.addi %add3A, %mul3A_264 : i32
        %mul3A_266 = arith.constant 128 : i32
        %mul3A_267 = arith.muli %add3A_265, %mul3A_266 : i32
        %dma_start3A_268 = arith.constant 0 : i32
        %dma_start3A_269 = tpu.memref_slice %arg3[%dma_start3A_268, %mul3A_267] : memref<2x320000xi32, #tpu.memory_space<hbm>> -> memref<2x128xi32, #tpu.memory_space<hbm>>
        %dma_start3A_270 = arith.constant 0 : i32
        %dma_start3A_271 = tpu.memref_slice %arg3[%dma_start3A_270, %mul3A_267] : memref<2x320000xi32, #tpu.memory_space<hbm>> -> memref<2x128xi32, #tpu.memory_space<hbm>>
        tpu.enqueue_dma source(%dma_start3A_271 : memref<2x128xi32, #tpu.memory_space<hbm>>) target(%arg8 : memref<2x128xi32, #tpu.memory_space<vmem>>) target_semaphore(%arg15 : memref<!tpu.dma_semaphore, #tpu.memory_space<semaphore_mem>>)
      } else {
      }
      %add3A_254 = arith.constant 2 : i32
      %add3A_255 = arith.addi %add3A_238, %add3A_254 : i32
      %lt3A_256 = arith.constant 78 : i32
      %lt3A_257 = arith.cmpi slt, %add3A_255, %lt3A_256 : i32
      %convert_element_type3A_258 = arith.extui %lt3A_257 : i1 to i32
      %cond3A_259 = arith.constant 0 : i32
      %cond3A_260 = arith.cmpi ne, %convert_element_type3A_258, %cond3A_259 : i32
      scf.if %cond3A_260 {
        %dma_wait3A_261 = arith.constant 0 : i32
        %dma_wait3A_262 = arith.constant 0 : i32
        %dma_wait3A_263 = tpu.memref_slice %arg3[%dma_wait3A_261, %dma_wait3A_262] : memref<2x320000xi32, #tpu.memory_space<hbm>> -> memref<2x128xi32, #tpu.memory_space<hbm>>
        %dma_wait3A_264 = arith.constant 0 : i32
        %dma_wait3A_265 = arith.constant 0 : i32
        %dma_wait3A_266 = tpu.memref_slice %arg3[%dma_wait3A_264, %dma_wait3A_265] : memref<2x320000xi32, #tpu.memory_space<hbm>> -> memref<2x128xi32, #tpu.memory_space<hbm>>
        tpu.wait_dma2 semaphore(%arg13 : memref<!tpu.dma_semaphore, #tpu.memory_space<semaphore_mem>>) src(%dma_wait3A_266 : memref<2x128xi32, #tpu.memory_space<hbm>>) dst(%arg6 : memref<2x128xi32, #tpu.memory_space<vmem>>)
        %add3A_267 = arith.constant 2 : i32
        %add3A_268 = arith.addi %add3A_238, %add3A_267 : i32
        %dma_start3A_269 = arith.constant 0 : i32
        %dma_start3A_270 = arith.constant 0 : i32
        %dma_start3A_271 = tpu.memref_slice %arg6[%dma_start3A_269, %dma_start3A_270] : memref<2x128xi32, #tpu.memory_space<vmem>> -> memref<1x128xi32, #tpu.memory_space<vmem>>
        %dma_start3A_272 = tpu.memref_squeeze %dma_start3A_271 : memref<1x128xi32, #tpu.memory_space<vmem>> -> memref<128xi32, #tpu.memory_space<vmem>>
        %dma_start3A_273 = arith.constant 0 : i32
        %dma_start3A_274 = arith.constant 0 : i32
        %dma_start3A_275 = tpu.memref_slice %arg2[%dma_start3A_273, %dma_start3A_274] : memref<10000x128xf32, #tpu.memory_space<hbm>> -> memref<10000x128xf32, #tpu.memory_space<hbm>>
        tpu.enqueue_indirect_dma source(%dma_start3A_275 : memref<10000x128xf32, #tpu.memory_space<hbm>>) target(%arg10 : memref<128x128xf32, #tpu.memory_space<vmem>>) offsets(%dma_start3A_272 : memref<128xi32, #tpu.memory_space<vmem>>) semaphore(%arg17 : memref<!tpu.dma_semaphore, #tpu.memory_space<semaphore_mem>>)
      } else {
      }
    }
    %scan3A_132 = arith.constant 19 : i32
    %dma_wait3A_133 = arith.constant 0 : i32
    %dma_wait3A_134 = arith.constant 0 : i32
    %dma_wait3A_135 = tpu.memref_slice %arg5[%dma_wait3A_133, %dma_wait3A_134] : memref<2x128xi32, #tpu.memory_space<vmem>> -> memref<1x128xi32, #tpu.memory_space<vmem>>
    %dma_wait3A_136 = tpu.memref_squeeze %dma_wait3A_135 : memref<1x128xi32, #tpu.memory_space<vmem>> -> memref<128xi32, #tpu.memory_space<vmem>>
    %dma_wait3A_137 = arith.constant 0 : i32
    %dma_wait3A_138 = arith.constant 0 : i32
    %dma_wait3A_139 = tpu.memref_slice %arg2[%dma_wait3A_137, %dma_wait3A_138] : memref<10000x128xf32, #tpu.memory_space<hbm>> -> memref<10000x128xf32, #tpu.memory_space<hbm>>
    tpu.wait_indirect_dma semaphore(%arg16 : memref<!tpu.dma_semaphore, #tpu.memory_space<semaphore_mem>>) src(%dma_wait3A_139 : memref<10000x128xf32, #tpu.memory_space<hbm>>) dst(%arg9 : memref<128x128xf32, #tpu.memory_space<vmem>>)
    %run_scoped3A = arith.constant 1 : i32
    "tpu.region"() ({
      %run_scoped3A_158 = tpu.sem_alloc : memref<!tpu.dma_semaphore, #tpu.memory_space<semaphore_mem>>
      %dma_start3A_159 = arith.constant 0 : i32
      %dma_start3A_160 = tpu.memref_slice %arg5[%run_scoped3A, %dma_start3A_159] : memref<2x128xi32, #tpu.memory_space<vmem>> -> memref<1x128xi32, #tpu.memory_space<vmem>>
      %dma_start3A_161 = tpu.memref_squeeze %dma_start3A_160 : memref<1x128xi32, #tpu.memory_space<vmem>> -> memref<128xi32, #tpu.memory_space<vmem>>
      %dma_start3A_162 = arith.constant 0 : i32
      %dma_start3A_163 = arith.constant 0 : i32
      %dma_start3A_164 = tpu.memref_slice %arg11[%dma_start3A_162, %dma_start3A_163] : memref<10000x128xf32, #tpu.memory_space<vmem_shared>> -> memref<10000x128xf32, #tpu.memory_space<vmem_shared>>
      tpu.enqueue_indirect_dma source(%arg9 : memref<128x128xf32, #tpu.memory_space<vmem>>) target(%dma_start3A_164 : memref<10000x128xf32, #tpu.memory_space<vmem_shared>>) offsets(%dma_start3A_161 : memref<128xi32, #tpu.memory_space<vmem>>) semaphore(%run_scoped3A_158 : memref<!tpu.dma_semaphore, #tpu.memory_space<semaphore_mem>>) {add = true}
      %dma_wait3A_165 = arith.constant 0 : i32
      %dma_wait3A_166 = tpu.memref_slice %arg5[%run_scoped3A, %dma_wait3A_165] : memref<2x128xi32, #tpu.memory_space<vmem>> -> memref<1x128xi32, #tpu.memory_space<vmem>>
      %dma_wait3A_167 = tpu.memref_squeeze %dma_wait3A_166 : memref<1x128xi32, #tpu.memory_space<vmem>> -> memref<128xi32, #tpu.memory_space<vmem>>
      %dma_wait3A_168 = arith.constant 0 : i32
      %dma_wait3A_169 = arith.constant 0 : i32
      %dma_wait3A_170 = tpu.memref_slice %arg11[%dma_wait3A_168, %dma_wait3A_169] : memref<10000x128xf32, #tpu.memory_space<vmem_shared>> -> memref<10000x128xf32, #tpu.memory_space<vmem_shared>>
      tpu.wait_indirect_dma semaphore(%run_scoped3A_158 : memref<!tpu.dma_semaphore, #tpu.memory_space<semaphore_mem>>) src(%arg9 : memref<128x128xf32, #tpu.memory_space<vmem>>) dst(%dma_wait3A_170 : memref<10000x128xf32, #tpu.memory_space<vmem_shared>>)
      tpu.yield
    }) : () -> ()
    %dma_wait3A_140 = arith.constant 0 : i32
    %dma_wait3A_141 = arith.constant 0 : i32
    %dma_wait3A_142 = tpu.memref_slice %arg5[%dma_wait3A_140, %dma_wait3A_141] : memref<2x128xi32, #tpu.memory_space<vmem>> -> memref<1x128xi32, #tpu.memory_space<vmem>>
    %dma_wait3A_143 = tpu.memref_squeeze %dma_wait3A_142 : memref<1x128xi32, #tpu.memory_space<vmem>> -> memref<128xi32, #tpu.memory_space<vmem>>
    %dma_wait3A_144 = arith.constant 0 : i32
    %dma_wait3A_145 = arith.constant 0 : i32
    %dma_wait3A_146 = tpu.memref_slice %arg2[%dma_wait3A_144, %dma_wait3A_145] : memref<10000x128xf32, #tpu.memory_space<hbm>> -> memref<10000x128xf32, #tpu.memory_space<hbm>>
    tpu.wait_indirect_dma semaphore(%arg17 : memref<!tpu.dma_semaphore, #tpu.memory_space<semaphore_mem>>) src(%dma_wait3A_146 : memref<10000x128xf32, #tpu.memory_space<hbm>>) dst(%arg10 : memref<128x128xf32, #tpu.memory_space<vmem>>)
    %run_scoped3A_147 = arith.constant 1 : i32
    "tpu.region"() ({
      %run_scoped3A_158 = tpu.sem_alloc : memref<!tpu.dma_semaphore, #tpu.memory_space<semaphore_mem>>
      %dma_start3A_159 = arith.constant 0 : i32
      %dma_start3A_160 = tpu.memref_slice %arg6[%run_scoped3A_147, %dma_start3A_159] : memref<2x128xi32, #tpu.memory_space<vmem>> -> memref<1x128xi32, #tpu.memory_space<vmem>>
      %dma_start3A_161 = tpu.memref_squeeze %dma_start3A_160 : memref<1x128xi32, #tpu.memory_space<vmem>> -> memref<128xi32, #tpu.memory_space<vmem>>
      %dma_start3A_162 = arith.constant 0 : i32
      %dma_start3A_163 = arith.constant 0 : i32
      %dma_start3A_164 = tpu.memref_slice %arg11[%dma_start3A_162, %dma_start3A_163] : memref<10000x128xf32, #tpu.memory_space<vmem_shared>> -> memref<10000x128xf32, #tpu.memory_space<vmem_shared>>
      tpu.enqueue_indirect_dma source(%arg10 : memref<128x128xf32, #tpu.memory_space<vmem>>) target(%dma_start3A_164 : memref<10000x128xf32, #tpu.memory_space<vmem_shared>>) offsets(%dma_start3A_161 : memref<128xi32, #tpu.memory_space<vmem>>) semaphore(%run_scoped3A_158 : memref<!tpu.dma_semaphore, #tpu.memory_space<semaphore_mem>>) {add = true}
      %dma_wait3A_165 = arith.constant 0 : i32
      %dma_wait3A_166 = tpu.memref_slice %arg6[%run_scoped3A_147, %dma_wait3A_165] : memref<2x128xi32, #tpu.memory_space<vmem>> -> memref<1x128xi32, #tpu.memory_space<vmem>>
      %dma_wait3A_167 = tpu.memref_squeeze %dma_wait3A_166 : memref<1x128xi32, #tpu.memory_space<vmem>> -> memref<128xi32, #tpu.memory_space<vmem>>
      %dma_wait3A_168 = arith.constant 0 : i32
      %dma_wait3A_169 = arith.constant 0 : i32
      %dma_wait3A_170 = tpu.memref_slice %arg11[%dma_wait3A_168, %dma_wait3A_169] : memref<10000x128xf32, #tpu.memory_space<vmem_shared>> -> memref<10000x128xf32, #tpu.memory_space<vmem_shared>>
      tpu.wait_indirect_dma semaphore(%run_scoped3A_158 : memref<!tpu.dma_semaphore, #tpu.memory_space<semaphore_mem>>) src(%arg10 : memref<128x128xf32, #tpu.memory_space<vmem>>) dst(%dma_wait3A_170 : memref<10000x128xf32, #tpu.memory_space<vmem_shared>>)
      tpu.yield
    }) : () -> ()
    %lt3A = arith.constant 4 : i32
    %lt3A_148 = arith.cmpi slt, %add3A, %lt3A : i32
    %convert_element_type3A_149 = arith.extui %lt3A_148 : i1 to i32
    %cond3A_150 = arith.constant 0 : i32
    %cond3A_151 = arith.cmpi ne, %convert_element_type3A_149, %cond3A_150 : i32
    scf.if %cond3A_151 {
      %add3A_158 = arith.constant 2496 : i32
      %add3A_159 = arith.addi %add3A_158, %add3A : i32
      %mul3A_160 = arith.constant 128 : i32
      %mul3A_161 = arith.muli %add3A_159, %mul3A_160 : i32
      "tpu.region"() ({
        %run_scoped3A_177 = tpu.sem_alloc : memref<!tpu.dma_semaphore, #tpu.memory_space<semaphore_mem>>
        %dma_start3A_178 = arith.constant 0 : i32
        %dma_start3A_179 = tpu.memref_slice %arg3[%dma_start3A_178, %mul3A_161] : memref<2x320000xi32, #tpu.memory_space<hbm>> -> memref<2x128xi32, #tpu.memory_space<hbm>>
        %dma_start3A_180 = arith.constant 0 : i32
        %dma_start3A_181 = tpu.memref_slice %arg3[%dma_start3A_180, %mul3A_161] : memref<2x320000xi32, #tpu.memory_space<hbm>> -> memref<2x128xi32, #tpu.memory_space<hbm>>
        tpu.enqueue_dma source(%dma_start3A_181 : memref<2x128xi32, #tpu.memory_space<hbm>>) target(%arg5 : memref<2x128xi32, #tpu.memory_space<vmem>>) target_semaphore(%run_scoped3A_177 : memref<!tpu.dma_semaphore, #tpu.memory_space<semaphore_mem>>)
        %dma_wait3A_182 = arith.constant 0 : i32
        %dma_wait3A_183 = tpu.memref_slice %arg3[%dma_wait3A_182, %mul3A_161] : memref<2x320000xi32, #tpu.memory_space<hbm>> -> memref<2x128xi32, #tpu.memory_space<hbm>>
        %dma_wait3A_184 = arith.constant 0 : i32
        %dma_wait3A_185 = tpu.memref_slice %arg3[%dma_wait3A_184, %mul3A_161] : memref<2x320000xi32, #tpu.memory_space<hbm>> -> memref<2x128xi32, #tpu.memory_space<hbm>>
        tpu.wait_dma2 semaphore(%run_scoped3A_177 : memref<!tpu.dma_semaphore, #tpu.memory_space<semaphore_mem>>) src(%dma_wait3A_185 : memref<2x128xi32, #tpu.memory_space<hbm>>) dst(%arg5 : memref<2x128xi32, #tpu.memory_space<vmem>>)
        tpu.yield
      }) : () -> ()
      %dma_start3A_162 = arith.constant 0 : i32
      %dma_start3A_163 = arith.constant 0 : i32
      %dma_start3A_164 = tpu.memref_slice %arg5[%dma_start3A_162, %dma_start3A_163] : memref<2x128xi32, #tpu.memory_space<vmem>> -> memref<1x128xi32, #tpu.memory_space<vmem>>
      %dma_start3A_165 = tpu.memref_squeeze %dma_start3A_164 : memref<1x128xi32, #tpu.memory_space<vmem>> -> memref<128xi32, #tpu.memory_space<vmem>>
      %dma_start3A_166 = arith.constant 0 : i32
      %dma_start3A_167 = arith.constant 0 : i32
      %dma_start3A_168 = tpu.memref_slice %arg2[%dma_start3A_166, %dma_start3A_167] : memref<10000x128xf32, #tpu.memory_space<hbm>> -> memref<10000x128xf32, #tpu.memory_space<hbm>>
      tpu.enqueue_indirect_dma source(%dma_start3A_168 : memref<10000x128xf32, #tpu.memory_space<hbm>>) target(%arg9 : memref<128x128xf32, #tpu.memory_space<vmem>>) offsets(%dma_start3A_165 : memref<128xi32, #tpu.memory_space<vmem>>) semaphore(%arg16 : memref<!tpu.dma_semaphore, #tpu.memory_space<semaphore_mem>>)
      %dma_wait3A_169 = arith.constant 0 : i32
      %dma_wait3A_170 = arith.constant 0 : i32
      %dma_wait3A_171 = tpu.memref_slice %arg5[%dma_wait3A_169, %dma_wait3A_170] : memref<2x128xi32, #tpu.memory_space<vmem>> -> memref<1x128xi32, #tpu.memory_space<vmem>>
      %dma_wait3A_172 = tpu.memref_squeeze %dma_wait3A_171 : memref<1x128xi32, #tpu.memory_space<vmem>> -> memref<128xi32, #tpu.memory_space<vmem>>
      %dma_wait3A_173 = arith.constant 0 : i32
      %dma_wait3A_174 = arith.constant 0 : i32
      %dma_wait3A_175 = tpu.memref_slice %arg2[%dma_wait3A_173, %dma_wait3A_174] : memref<10000x128xf32, #tpu.memory_space<hbm>> -> memref<10000x128xf32, #tpu.memory_space<hbm>>
      tpu.wait_indirect_dma semaphore(%arg16 : memref<!tpu.dma_semaphore, #tpu.memory_space<semaphore_mem>>) src(%dma_wait3A_175 : memref<10000x128xf32, #tpu.memory_space<hbm>>) dst(%arg9 : memref<128x128xf32, #tpu.memory_space<vmem>>)
      %run_scoped3A_176 = arith.constant 1 : i32
      "tpu.region"() ({
        %run_scoped3A_177 = tpu.sem_alloc : memref<!tpu.dma_semaphore, #tpu.memory_space<semaphore_mem>>
        %dma_start3A_178 = arith.constant 0 : i32
        %dma_start3A_179 = tpu.memref_slice %arg5[%run_scoped3A_176, %dma_start3A_178] : memref<2x128xi32, #tpu.memory_space<vmem>> -> memref<1x128xi32, #tpu.memory_space<vmem>>
        %dma_start3A_180 = tpu.memref_squeeze %dma_start3A_179 : memref<1x128xi32, #tpu.memory_space<vmem>> -> memref<128xi32, #tpu.memory_space<vmem>>
        %dma_start3A_181 = arith.constant 0 : i32
        %dma_start3A_182 = arith.constant 0 : i32
        %dma_start3A_183 = tpu.memref_slice %arg11[%dma_start3A_181, %dma_start3A_182] : memref<10000x128xf32, #tpu.memory_space<vmem_shared>> -> memref<10000x128xf32, #tpu.memory_space<vmem_shared>>
        tpu.enqueue_indirect_dma source(%arg9 : memref<128x128xf32, #tpu.memory_space<vmem>>) target(%dma_start3A_183 : memref<10000x128xf32, #tpu.memory_space<vmem_shared>>) offsets(%dma_start3A_180 : memref<128xi32, #tpu.memory_space<vmem>>) semaphore(%run_scoped3A_177 : memref<!tpu.dma_semaphore, #tpu.memory_space<semaphore_mem>>) {add = true}
        %dma_wait3A_184 = arith.constant 0 : i32
        %dma_wait3A_185 = tpu.memref_slice %arg5[%run_scoped3A_176, %dma_wait3A_184] : memref<2x128xi32, #tpu.memory_space<vmem>> -> memref<1x128xi32, #tpu.memory_space<vmem>>
        %dma_wait3A_186 = tpu.memref_squeeze %dma_wait3A_185 : memref<1x128xi32, #tpu.memory_space<vmem>> -> memref<128xi32, #tpu.memory_space<vmem>>
        %dma_wait3A_187 = arith.constant 0 : i32
        %dma_wait3A_188 = arith.constant 0 : i32
        %dma_wait3A_189 = tpu.memref_slice %arg11[%dma_wait3A_187, %dma_wait3A_188] : memref<10000x128xf32, #tpu.memory_space<vmem_shared>> -> memref<10000x128xf32, #tpu.memory_space<vmem_shared>>
        tpu.wait_indirect_dma semaphore(%run_scoped3A_177 : memref<!tpu.dma_semaphore, #tpu.memory_space<semaphore_mem>>) src(%arg9 : memref<128x128xf32, #tpu.memory_space<vmem>>) dst(%dma_wait3A_189 : memref<10000x128xf32, #tpu.memory_space<vmem_shared>>)
        tpu.yield
      }) : () -> ()
    } else {
    }
    %barrier3A_152 = arith.constant 0 : index
    tpu.barrier barrier_id(%barrier3A_152)
    "tpu.region"() ({
      %run_scoped3A_158 = tpu.sem_alloc : memref<!tpu.dma_semaphore, #tpu.memory_space<semaphore_mem>>
      %dma_start3A_159 = arith.constant 0 : i32
      %dma_start3A_160 = tpu.memref_slice %arg4[%arg0, %mul3A_50, %dma_start3A_159] : memref<2x10000x128xf32, #tpu.memory_space<hbm>> -> memref<1x624x128xf32, #tpu.memory_space<hbm>>
      %dma_start3A_161 = tpu.memref_squeeze %dma_start3A_160 : memref<1x624x128xf32, #tpu.memory_space<hbm>> -> memref<624x128xf32, #tpu.memory_space<hbm>>
      %dma_start3A_162 = arith.constant 0 : i32
      %dma_start3A_163 = tpu.memref_slice %arg11[%mul3A_50, %dma_start3A_162] : memref<10000x128xf32, #tpu.memory_space<vmem_shared>> -> memref<624x128xf32, #tpu.memory_space<vmem_shared>>
      tpu.enqueue_dma source(%dma_start3A_163 : memref<624x128xf32, #tpu.memory_space<vmem_shared>>) target(%dma_start3A_161 : memref<624x128xf32, #tpu.memory_space<hbm>>) target_semaphore(%run_scoped3A_158 : memref<!tpu.dma_semaphore, #tpu.memory_space<semaphore_mem>>)
      %dma_wait3A_164 = arith.constant 0 : i32
      %dma_wait3A_165 = tpu.memref_slice %arg4[%arg0, %mul3A_50, %dma_wait3A_164] : memref<2x10000x128xf32, #tpu.memory_space<hbm>> -> memref<1x624x128xf32, #tpu.memory_space<hbm>>
      %dma_wait3A_166 = tpu.memref_squeeze %dma_wait3A_165 : memref<1x624x128xf32, #tpu.memory_space<hbm>> -> memref<624x128xf32, #tpu.memory_space<hbm>>
      %dma_wait3A_167 = arith.constant 0 : i32
      %dma_wait3A_168 = tpu.memref_slice %arg11[%mul3A_50, %dma_wait3A_167] : memref<10000x128xf32, #tpu.memory_space<vmem_shared>> -> memref<624x128xf32, #tpu.memory_space<vmem_shared>>
      tpu.wait_dma2 semaphore(%run_scoped3A_158 : memref<!tpu.dma_semaphore, #tpu.memory_space<semaphore_mem>>) src(%dma_wait3A_168 : memref<624x128xf32, #tpu.memory_space<vmem_shared>>) dst(%dma_wait3A_166 : memref<624x128xf32, #tpu.memory_space<hbm>>)
      tpu.yield
    }) : () -> ()
    %eq3A_153 = arith.constant 0 : i32
    %eq3A_154 = arith.cmpi eq, %arg1, %eq3A_153 : i32
    %convert_element_type3A_155 = arith.extui %eq3A_154 : i1 to i32
    %cond3A_156 = arith.constant 0 : i32
    %cond3A_157 = arith.cmpi ne, %convert_element_type3A_155, %cond3A_156 : i32
    scf.if %cond3A_157 {
      "tpu.region"() ({
        %run_scoped3A_158 = tpu.sem_alloc : memref<!tpu.dma_semaphore, #tpu.memory_space<semaphore_mem>>
        %dma_start3A_159 = arith.constant 9984 : i32
        %dma_start3A_160 = arith.constant 0 : i32
        %dma_start3A_161 = tpu.memref_slice %arg4[%arg0, %dma_start3A_159, %dma_start3A_160] : memref<2x10000x128xf32, #tpu.memory_space<hbm>> -> memref<1x16x128xf32, #tpu.memory_space<hbm>>
        %dma_start3A_162 = tpu.memref_squeeze %dma_start3A_161 : memref<1x16x128xf32, #tpu.memory_space<hbm>> -> memref<16x128xf32, #tpu.memory_space<hbm>>
        %dma_start3A_163 = arith.constant 9984 : i32
        %dma_start3A_164 = arith.constant 0 : i32
        %dma_start3A_165 = tpu.memref_slice %arg11[%dma_start3A_163, %dma_start3A_164] : memref<10000x128xf32, #tpu.memory_space<vmem_shared>> -> memref<16x128xf32, #tpu.memory_space<vmem_shared>>
        tpu.enqueue_dma source(%dma_start3A_165 : memref<16x128xf32, #tpu.memory_space<vmem_shared>>) target(%dma_start3A_162 : memref<16x128xf32, #tpu.memory_space<hbm>>) target_semaphore(%run_scoped3A_158 : memref<!tpu.dma_semaphore, #tpu.memory_space<semaphore_mem>>)
        %dma_wait3A_166 = arith.constant 9984 : i32
        %dma_wait3A_167 = arith.constant 0 : i32
        %dma_wait3A_168 = tpu.memref_slice %arg4[%arg0, %dma_wait3A_166, %dma_wait3A_167] : memref<2x10000x128xf32, #tpu.memory_space<hbm>> -> memref<1x16x128xf32, #tpu.memory_space<hbm>>
        %dma_wait3A_169 = tpu.memref_squeeze %dma_wait3A_168 : memref<1x16x128xf32, #tpu.memory_space<hbm>> -> memref<16x128xf32, #tpu.memory_space<hbm>>
        %dma_wait3A_170 = arith.constant 9984 : i32
        %dma_wait3A_171 = arith.constant 0 : i32
        %dma_wait3A_172 = tpu.memref_slice %arg11[%dma_wait3A_170, %dma_wait3A_171] : memref<10000x128xf32, #tpu.memory_space<vmem_shared>> -> memref<16x128xf32, #tpu.memory_space<vmem_shared>>
        tpu.wait_dma2 semaphore(%run_scoped3A_158 : memref<!tpu.dma_semaphore, #tpu.memory_space<semaphore_mem>>) src(%dma_wait3A_172 : memref<16x128xf32, #tpu.memory_space<vmem_shared>>) dst(%dma_wait3A_169 : memref<16x128xf32, #tpu.memory_space<hbm>>)
        tpu.yield
      }) : () -> ()
    } else {
    }
    return
  }
}

module attributes {stable_mosaic.version = 14 : i64} {
  func.func @_mlp_body(%arg0: i32, %arg1: memref<5000x128xf32, #tpu.memory_space<vmem>>, %arg2: memref<2x5000x128xf32, #tpu.memory_space<vmem>>, %arg3: memref<128x128xf32, #tpu.memory_space<vmem>>, %arg4: memref<1x128xf32, #tpu.memory_space<vmem>>, %arg5: memref<128x128xf32, #tpu.memory_space<vmem>>, %arg6: memref<1x128xf32, #tpu.memory_space<vmem>>, %arg7: memref<5000x128xf32, #tpu.memory_space<vmem>>) attributes {dimension_semantics = [#tpu.dimension_semantics<parallel>], iteration_bounds = array<i64: 2>, scalar_prefetch = 0 : i64, scratch_operands = 0 : i64, tpu.core_type = #tpu.core_type<tc>, window_params = [{transform_indices = @transform_0, window_bounds = array<i64: 5000, 128>}, {transform_indices = @transform_1, window_bounds = array<i64: 2, 5000, 128>}, {pipeline_mode = #tpu.pipeline_mode<synchronous>, transform_indices = @transform_2, window_bounds = array<i64: 128, 128>}, {pipeline_mode = #tpu.pipeline_mode<synchronous>, transform_indices = @transform_3, window_bounds = array<i64: 1, 128>}, {pipeline_mode = #tpu.pipeline_mode<synchronous>, transform_indices = @transform_4, window_bounds = array<i64: 128, 128>}, {pipeline_mode = #tpu.pipeline_mode<synchronous>, transform_indices = @transform_5, window_bounds = array<i64: 1, 128>}, {transform_indices = @transform_6, window_bounds = array<i64: 5000, 128>}]} {
    %get3A = arith.constant 0 : index
    %get3A_0 = arith.constant 0 : index
    %get3A_1 = vector.load %arg1[%get3A, %get3A_0] : memref<5000x128xf32, #tpu.memory_space<vmem>>, vector<5000x128xf32>
    %get3A_2 = arith.constant 0 : index
    %get3A_3 = arith.constant 0 : index
    %get3A_4 = arith.constant 0 : index
    %get3A_5 = vector.load %arg2[%get3A_2, %get3A_3, %get3A_4] : memref<2x5000x128xf32, #tpu.memory_space<vmem>>, vector<1x5000x128xf32>
    %get3A_6 = vector.shape_cast %get3A_5 : vector<1x5000x128xf32> to vector<5000x128xf32>
    %add3A = arith.addf %get3A_1, %get3A_6 : vector<5000x128xf32>
    %get3A_7 = arith.constant 1 : index
    %get3A_8 = arith.constant 0 : index
    %get3A_9 = arith.constant 0 : index
    %get3A_10 = vector.load %arg2[%get3A_7, %get3A_8, %get3A_9] : memref<2x5000x128xf32, #tpu.memory_space<vmem>>, vector<1x5000x128xf32>
    %get3A_11 = vector.shape_cast %get3A_10 : vector<1x5000x128xf32> to vector<5000x128xf32>
    %add3A_12 = arith.addf %add3A, %get3A_11 : vector<5000x128xf32>
    %get3A_13 = arith.constant 0 : index
    %get3A_14 = arith.constant 0 : index
    %get3A_15 = vector.load %arg3[%get3A_13, %get3A_14] : memref<128x128xf32, #tpu.memory_space<vmem>>, vector<128x128xf32>
    %dot_general3A = arith.constant dense<0.000000e+00> : vector<5000x128xf32>
    %dot_general3A_16 = tpu.matmul %add3A_12, %get3A_15, %dot_general3A {dimension_numbers = #tpu.dot_dimension_numbers<[1], [0], [0], [1], [0, 0, 1, 1], [], []>, transpose_lhs_hint = false} : vector<5000x128xf32>, vector<128x128xf32>, vector<5000x128xf32> -> vector<5000x128xf32>
    %get3A_17 = arith.constant 0 : index
    %get3A_18 = arith.constant 0 : index
    %get3A_19 = vector.load %arg4[%get3A_17, %get3A_18] : memref<1x128xf32, #tpu.memory_space<vmem>>, vector<1x128xf32>
    %add3A_20 = vector.broadcast %get3A_19 : vector<1x128xf32> to vector<5000x128xf32>
    %add3A_21 = arith.addf %dot_general3A_16, %add3A_20 : vector<5000x128xf32>
    %max3A = arith.constant 0.000000e+00 : f32
    %max3A_22 = vector.broadcast %max3A : f32 to vector<5000x128xf32>
    %max3A_23 = arith.maximumf %add3A_21, %max3A_22 : vector<5000x128xf32>
    %get3A_24 = arith.constant 0 : index
    %get3A_25 = arith.constant 0 : index
    %get3A_26 = vector.load %arg5[%get3A_24, %get3A_25] : memref<128x128xf32, #tpu.memory_space<vmem>>, vector<128x128xf32>
    %dot_general3A_27 = arith.constant dense<0.000000e+00> : vector<5000x128xf32>
    %dot_general3A_28 = tpu.matmul %max3A_23, %get3A_26, %dot_general3A_27 {dimension_numbers = #tpu.dot_dimension_numbers<[1], [0], [0], [1], [0, 0, 1, 1], [], []>, transpose_lhs_hint = false} : vector<5000x128xf32>, vector<128x128xf32>, vector<5000x128xf32> -> vector<5000x128xf32>
    %get3A_29 = arith.constant 0 : index
    %get3A_30 = arith.constant 0 : index
    %get3A_31 = vector.load %arg6[%get3A_29, %get3A_30] : memref<1x128xf32, #tpu.memory_space<vmem>>, vector<1x128xf32>
    %add3A_32 = vector.broadcast %get3A_31 : vector<1x128xf32> to vector<5000x128xf32>
    %add3A_33 = arith.addf %dot_general3A_28, %add3A_32 : vector<5000x128xf32>
    %max3A_34 = arith.constant 0.000000e+00 : f32
    %max3A_35 = vector.broadcast %max3A_34 : f32 to vector<5000x128xf32>
    %max3A_36 = arith.maximumf %add3A_33, %max3A_35 : vector<5000x128xf32>
    %swap3A = arith.constant 0 : index
    %swap3A_37 = arith.constant 0 : index
    %swap3A_38 = vector.load %arg7[%swap3A, %swap3A_37] : memref<5000x128xf32, #tpu.memory_space<vmem>>, vector<5000x128xf32>
    tpu.vector_store %arg7[%swap3A, %swap3A_37], %max3A_36 {strides = array<i32>} : memref<5000x128xf32, #tpu.memory_space<vmem>>, vector<5000x128xf32>,
    return
  }
  func.func @transform_0(%arg0: i32) -> (i32, i32) {
    %c0_i32 = arith.constant 0 : i32
    %c0_i32_0 = arith.constant 0 : i32
    return %arg0, %c0_i32 : i32, i32
  }
  func.func @transform_1(%arg0: i32) -> (i32, i32, i32) {
    %c0_i32 = arith.constant 0 : i32
    %c0_i32_0 = arith.constant 0 : i32
    %c0_i32_1 = arith.constant 0 : i32
    return %c0_i32, %arg0, %c0_i32_0 : i32, i32, i32
  }
  func.func @transform_2(%arg0: i32) -> (i32, i32) {
    %c0_i32 = arith.constant 0 : i32
    %c0_i32_0 = arith.constant 0 : i32
    %c0_i32_1 = arith.constant 0 : i32
    return %c0_i32, %c0_i32_0 : i32, i32
  }
  func.func @transform_3(%arg0: i32) -> (i32, i32) {
    %c0_i32 = arith.constant 0 : i32
    %c0_i32_0 = arith.constant 0 : i32
    %c0_i32_1 = arith.constant 0 : i32
    return %c0_i32, %c0_i32_0 : i32, i32
  }
  func.func @transform_4(%arg0: i32) -> (i32, i32) {
    %c0_i32 = arith.constant 0 : i32
    %c0_i32_0 = arith.constant 0 : i32
    %c0_i32_1 = arith.constant 0 : i32
    return %c0_i32, %c0_i32_0 : i32, i32
  }
  func.func @transform_5(%arg0: i32) -> (i32, i32) {
    %c0_i32 = arith.constant 0 : i32
    %c0_i32_0 = arith.constant 0 : i32
    %c0_i32_1 = arith.constant 0 : i32
    return %c0_i32, %c0_i32_0 : i32, i32
  }
  func.func @transform_6(%arg0: i32) -> (i32, i32) {
    %c0_i32 = arith.constant 0 : i32
    %c0_i32_0 = arith.constant 0 : i32
    return %arg0, %c0_i32 : i32, i32
  }
}

</mosaic_0001>

<sc_bundles>
// kernel: kernel.4.cloned.1.call-start
scs
__scs_entry_jumppad:
0x0: {  	(pc) =	sbr.rel $0x88, $3  }
0x1: {  	(tag) =	ssettag $0x0;
	lr =	simm.s32 $0x1  }
0x2: {  	[smem:$0x3F9B] =	sst lr;
	_ =	strace $0xD0000000  }
0x3: {  	_ = 	snop  }
0x4: {  	_ = 	snop  }
0x5: {  	_ = 	snop  }
0x6: {  	_ = 	snop  }
0x7: {  	_ = 	snop  }
__scs_overlays_trampoline_lowered:
0x8: {  	[smem:$0x3FAA] =	sst s0  }
0x9: {  	[smem:$0x3FAB] =	sst s1  }
0xa: {  	[smem:$0x3FAC] =	sst s2  }
0xb: {  	[smem:$0x3FAD] =	sst s3  }
0xc: {  	[smem:$0x3FAE] =	sst s4  }
0xd: {  	[smem:$0x3FAF] =	sst s5  }
0xe: {  	[smem:$0x3FB0] =	sst s6  }
0xf: {  	[smem:$0x3FB1] =	sst s7  }
0x10: {  	[smem:$0x3FB2] =	sst s8  }
0x11: {  	[smem:$0x3FB3] =	sst s9;
	s0 =	simm.s32 @!p0 $0x0  }
0x12: {  	s1 =	sld [smem:$0x3F99];
	s0 =	simm.s32 @p0 $0x1  }
0x13: {  	[smem:$0x3FB4] =	sst s0;
	s0 =	simm.s32 @!p1 $0x0  }
0x14: {  	s2 =	sld [smem:$0x3F98];
	s0 =	simm.s32 @p1 $0x1  }
0x15: {  	[smem:$0x3FB5] =	sst s0;
	s0 =	simm.s32 @!p2 $0x0  }
0x16: {  	s3 =	sld [smem:$0x3FDB];
	s0 =	simm.s32 @p2 $0x1  }
0x17: {  	s4 =	simm.s32 $0x1BF5;
	[smem:$0x3FB7] =	sst s0  }
0x18: {  	s0 =	sld [smem:$0x3F9A];
	_ =	swait.ge [sflag:s4], $0x0  }
0x19: {  	s7 =	sld [smem:$0x3F9B]  }
0x1a: {  	s8 =	sadd.s32 $0xFFFFE003, lr  }
0x1b: {  	s9 =	sadd.s32 $0xFFFFFEF7, lr;
	s5 =	simm.s32 $0xFFFFFFFF;
	p2 =	slt.u32 s8, $0xFFFFF086  }
0x1c: {  	p1 =	slt.u32 s9, $0xF7A;
	s5 =	simm.s32 @!p2 $0x0  }
0x1d: {  	s5 =	simm.s32 @p1 $0x1;
	p0 =	seq.s32 s7, s2  }
0x1e: {  	s7 =	smul.u32 @!p0 $0xF7A, s2;
	p2 =	seq.s32 @!p0 s5, $0x0  }
0x1f: {  	s9 =	smul.u32 $0xF7A, s1;
	s8 =	simm.s32 @!p0 $0x1BF5;
	p2 =	por !p2, p0  }
0x20: {  	[sflag:s8] =	ssyncset.s32 @!p0 $0xFFFFF086;
	s6 =	sadd.s32 @!p0 s3, s7;
	s7 =	simm.s32 @!p0 $0x108  }
0x21: {  	s3 =	sadd.s32 s3, s9;
	s6 =	sadd.s32 @!p0 $0x88, s6;
	s7 =	simm.s32 @p2 $0x1082  }
0x22: {  	[simem:s7], [sflag:s8] =	dma.local @!p0 [hbm:s6], $0xF7A  }
0x23: {  	s9 =	sor.u32 $0xD0000000, s2;
	s6 =	simm.s32 $0x108;
	_ =	swait.ge @!p0 [sflag:s8], $0x0  }
0x24: {  	s3 =	sadd.s32 $0x88, s3;
	s6 =	simm.s32 @!p1 $0x1082;
	[sflag:s4] =	ssyncset.s32 $0xFFFFF086  }
0x25: {  	[simem:s6], [sflag:s4] =	dma.local [hbm:s3], $0xF7A  }
0x26: {  	[smem:$0x3F9B] =	sst s1;
	(tag) =	ssettag s2;
	_ =	strace s9  }
0x27: {  	s1 =	sld [smem:$0x3FAB]  }
0x28: {  	s2 =	sld [smem:$0x3FAC]  }
0x29: {  	s4 =	sld [smem:$0x3FAE]  }
0x2a: {  	p0 =	seq.s32 s5, $0x0;
	s5 =	sld [smem:$0x3FAF]  }
0x2b: {  	s6 =	sld [smem:$0x3FB0]  }
0x2c: {  	s7 =	sld [smem:$0x3FB1]  }
0x2d: {  	s3 =	simm.s32 $0x108;
	s8 =	sld [smem:$0x3FB2]  }
0x2e: {  	s3 =	simm.s32 @!p0 $0x1082;
	s9 =	sld [smem:$0x3FB3]  }
0x2f: {  	lr =	sadd.s32 s0, s3;
	s0 =	sld [smem:$0x3FAA]  }
0x30: {  	s3 =	sld [smem:$0x3FAD]  }
0x31: {  	[smem:$0x3FB6] =	sst s10  }
0x32: {  	s10 =	sld [smem:$0x3FB4];
	_ =	sdelay $0x3  }
0x33: {  	p0 =	seq.s32 s10, $0x1;
	s10 =	sld [smem:$0x3FB6];
	_ =	sdelay $0x3  }
0x34: {  	[smem:$0x3FB6] =	sst s10  }
0x35: {  	s10 =	sld [smem:$0x3FB5];
	_ =	sdelay $0x3  }
0x36: {  	p1 =	seq.s32 s10, $0x1;
	s10 =	sld [smem:$0x3FB6];
	_ =	sdelay $0x3  }
0x37: {  	[smem:$0x3FB6] =	sst s10  }
0x38: {  	s10 =	sld [smem:$0x3FB7]  }
0x39: {  	_ = 	snop;
	(pc) =	sbr.ind lr, $3  }
0x3a: {  	_ = 	snop  }
0x3b: {  	_ = 	snop  }
0x3c: {  	p2 =	seq.s32 s10, $0x1;
	s10 =	sld [smem:$0x3FB6]  }
0x3d: {  	_ =	shalt  }
0x3e: {  	_ =	shalt  }
0x3f: {  	_ =	shalt  }
0x40: {  	_ =	shalt  }
0x41: {  	_ =	shalt  }
0x42: {  	_ =	shalt  }
0x43: {  	_ =	shalt  }
0x44: {  	_ =	shalt  }
0x45: {  	_ =	shalt  }
0x46: {  	_ =	shalt  }
0x47: {  	_ =	shalt  }
0x48: {  	_ =	shalt  }
0x49: {  	_ =	shalt  }
0x4a: {  	_ =	shalt  }
0x4b: {  	_ =	shalt  }
0x4c: {  	_ =	shalt  }
0x4d: {  	_ =	shalt  }
0x4e: {  	_ =	shalt  }
0x4f: {  	_ =	shalt  }
0x50: {  	_ =	shalt  }
0x51: {  	_ =	shalt  }
0x52: {  	_ =	shalt  }
0x53: {  	_ =	shalt  }
0x54: {  	_ =	shalt  }
0x55: {  	_ =	shalt  }
0x56: {  	_ =	shalt  }
0x57: {  	_ =	shalt  }
0x58: {  	_ =	shalt  }
0x59: {  	_ =	shalt  }
0x5a: {  	_ =	shalt  }
0x5b: {  	_ =	shalt  }
0x5c: {  	_ =	shalt  }
0x5d: {  	_ =	shalt  }
0x5e: {  	_ =	shalt  }
0x5f: {  	_ =	shalt  }
0x60: {  	_ =	shalt  }
0x61: {  	_ =	shalt  }
0x62: {  	_ =	shalt  }
0x63: {  	_ =	shalt  }
0x64: {  	_ =	shalt  }
0x65: {  	_ =	shalt  }
0x66: {  	_ =	shalt  }
0x67: {  	_ =	shalt  }
0x68: {  	_ =	shalt  }
0x69: {  	_ =	shalt  }
0x6a: {  	_ =	shalt  }
0x6b: {  	_ =	shalt  }
0x6c: {  	_ =	shalt  }
0x6d: {  	_ =	shalt  }
0x6e: {  	_ =	shalt  }
0x6f: {  	_ =	shalt  }
0x70: {  	_ =	shalt  }
0x71: {  	_ =	shalt  }
0x72: {  	_ =	shalt  }
0x73: {  	_ =	shalt  }
0x74: {  	_ =	shalt  }
0x75: {  	_ =	shalt  }
0x76: {  	_ =	shalt  }
0x77: {  	_ =	shalt  }
0x78: {  	_ =	shalt  }
0x79: {  	_ =	shalt  }
0x7a: {  	_ =	shalt  }
0x7b: {  	_ =	shalt  }
0x7c: {  	_ =	shalt  }
0x7d: {  	_ =	shalt  }
0x7e: {  	_ =	shalt  }
0x7f: {  	_ =	shalt  }
0x80: {  	_ =	shalt  }
0x81: {  	_ =	shalt  }
0x82: {  	_ =	shalt  }
0x83: {  	_ =	shalt  }
0x84: {  	_ =	shalt  }
0x85: {  	_ =	shalt  }
0x86: {  	_ =	shalt  }
0x87: {  	_ =	shalt  }
.Lfunc_end0:
.L_simem_size_0:
called_computation_lowered:
.L_overlay_start_0:
0x88: {  	s2 =	sld [smem:$0x3FD9]  }
0x89: {  	s3 =	sld [smem:$0x3FFE];
	_ =	sdelay $0x1  }
0x8a: {  	s1 =	srdreg.scid  }
0x8b: {  	s0 =	sand.u32 $0x1, s1  }
0x8c: {  	s17 =	sshll.u32 s0, $0xA;
	s2 =	sadd.s32 s3, s2  }
0x8d: {  	s2 =	sadd.s32 s2, s17  }
0x8e: {  	[smem:$0x3FC2] =	sst s2  }
0x8f: {  	_ = 	snop  }
0x90: {  	s2 =	sld [smem:$0x3FC9]  }
0x91: {  	s18 =	sld [smem:$0x3FC8];
	(tm) =	ssettm $0x1  }
0x92: {  	s4 =	sld [smem:$0x3FFB];
	_ =	sdelay $0x3  }
0x93: {  	_ =	strace s4  }
0x94: {  	s4 =	sld [smem:$0x3FFC];
	_ =	sdelay $0x3  }
0x95: {  	_ =	strace s4  }
0x96: {  	s4 =	sld [smem:$0x3FFD];
	_ =	sdelay $0x3  }
0x97: {  	_ =	strace s4  }
0x98: {  	_ =	strace $0x8FFFFFFF  }
0x99: {  	s19 =	sld [smem:$0x3FDB];
	_ =	sdelay $0x1  }
0x9a: {  	s5 =	simm.s32 $_scs_section_size  }
0x9b: {  	s6 =	simm.s32 $_size__tile_overlayer_lowered;
	s7 =	simm.s32 $_tile_overlayer_lowered  }
0x9c: {  	s22 =	simm.s32 $0x1BFF;
	s21 =	sshll.u32 s7, $0x1;
	s4 =	sadd.s32 s5, s19  }
0x9d: {  	s8 =	simm.s32 $0x0;
	s20 =	sshll.u32 s6, $0x1;
	s6 =	sadd.s32 s21, s4  }
0x9e: {  	[timem:s8], [sflag:s22] =	dma.local [hbm:s6], s20  }
0x9f: {  	_ =	swait.ge [sflag:s22], s20  }
0xa0: {  	s5 =	ssub.s32 $0x0, s20;
	[sflag:s22] =	ssyncset.done $0x0  }
0xa1: {  	[sflag:s22] =	ssyncadd.s32 s5;
	_ =	sdelay $0x1  }
0xa2: {  	s23 =	simm.s32 $0x1B8B  }
0xa3: {  	_ =	swait.ge [sflag:s23], $0x1  }
0xa4: {  	[sflag:s23] =	ssyncset.done $0x0  }
0xa5: {  	s25 =	simm.s32 $0x1B8E;
	s24 =	sld [smem:$0x3FFE];
	[sflag:s23] =	ssyncadd.s32 $0xFFFFFFFF  }
0xa6: {  	s26 =	simm.s32 $execute0_lowered;
	[smem:$0x3FD2] =	sst s25  }
0xa7: {  	s6 =	sshll.u32 s26, $0x1;
	_ =	strace $0x80000046;
	[dreg:$0x1] =	wrdreg $0xFFFFFFFF  }
0xa8: {  	s28 =	simm.s32 $_size_execute0_lowered;
	s4 =	sadd.s32 s4, s6;
	[dreg:$0x0] =	wrdreg $0x0  }
0xa9: {  	s6 =	sshll.u32 s28, $0x1;
	[dreg:$0x2] =	wrdreg s4  }
0xaa: {  	[dreg:$0x3] =	wrdreg s6  }
0xab: {  	[dreg:$0x4] =	wrdreg $0xC0  }
0xac: {  	_ =	task [dreg:s8], $0x5FFFF  }
0xad: {  	[dreg:$0x1] =	wrdreg $0xFFFFFFFF  }
0xae: {  	[dreg:$0x0] =	wrdreg $0x60  }
0xaf: {  	[dreg:$0x2] =	wrdreg s2  }
0xb0: {  	[dreg:$0x3] =	wrdreg s18  }
0xb1: {  	[dreg:$0x4] =	wrdreg s24  }
0xb2: {  	[dreg:$0x5] =	wrdreg $0x84000  }
0xb3: {  	[dreg:$0x6] =	wrdreg $0x9  }
0xb4: {  	_ =	task.clear_ibuf [dreg:s8], $0x7FFFF;
	_ =	strace $0x90000046  }
0xb5: {  	s29 =	simm.s32 $0x9;
	_ =	strace $0x80000048  }
0xb6: {  	_ =	swait.ge [sflag:s29], $0x1  }
0xb7: {  	[sflag:s29] =	ssyncadd.s32 $0xFFFFFFFF  }
0xb8: {  	_ =	strace $0x90000048  }
0xb9: {  	_ =	sfence  }
0xba: {  	s30 =	sld [smem:$0x0];
	_ =	sdelay $0x2  }
0xbb: {  	s31 =	sshll.u32 s1, $0xD;
	s1 =	sshrl.u32 s1, $0x2  }
0xbc: {  	s3 =	sand.u32 $0x4000, s31;
	s1 =	sadd.s32 s1, s30  }
0xbd: {  	s0 =	sor.u32 s3, s0;
	s1 =	sshll.u32 s1, $0x11  }
0xbe: {  	s0 =	sor.u32 s1, s0  }
0xbf: {  	s0 =	sadd.s32 $0x8F2B, s0  }
0xc0: {  	[sflag:s0] =	ssyncadd.remote.s32 $0x1  }
0xc1: {  	_ =	sfence.sel $0xFFFF  }
0xc2: {  	[dreg:$0x0] =	wrdreg $0xFFFFFFFF;
	(pc) =	sbr.abs _section_cstart, $3  }
0xc3: {  	[dreg:$0x1] =	wrdreg $0xFFFFFFFF  }
0xc4: {  	_ =	task.clear_ibuf [dreg:s8], $0x2FFFF;
	_ =	strace $0x9FFFFFFF  }
0xc5: {  	(tm) =	ssettm $0x7FFFFFFF  }
tec
execute0_lowered:
.L_overlay_start_1:
0x0: {  	(tag) =	ssettag $0x1  }
0x1: {  	s1 =	rddreg [dreg:$0x0]  }
0x2: {  	s0 =	rddreg [dreg:$0x1]  }
0x3: {  	s4 =	rddreg [dreg:$0x2]  }
0x4: {  	s2 =	rddreg [dreg:$0x3];
	s5 =	srdreg.scid  }
0x5: {  	s3 =	simm.s32 $0x0;
	s13 =	stileid.u32;
	s28 =	simm.s32 $0x400  }
0x6: {  	s29 =	simm.s32 $0x4400;
	s30 =	simm.s32 $0x6;
	s31 =	simm.s32 $0x2  }
0x7: {  	s6 =	sand.u32 $0x1, s5;
	[smem:$0x7FF] =	sst s3;
	s10 =	smul.u32 $0x4E000, s13  }
0x8: {  	s4 =	sadd.s32 $0x1000, s4;
	s11 =	sshll.u32 s13, $0x5;
	s20 =	smul.u32 $0x13800, s13  }
0x9: {  	p0 =	sne.s32 s13, $0x0;
	s5 =	sshll.u32 s6, $0x4;
	_ =	strace $0x80000047  }
0xa: {  	s7 =	ssub.s32 $0x2, s6;
	s18 =	smul.u32 $0x138800, s6;
	s26 =	sshll.u32 s6, $0x9  }
0xb: {  	s6 =	simm.s32 $0x3;
	s9 =	sor.u32 s13, s5;
	s15 =	sshrl.u32 s7, $0x1  }
0xc: {  	s16 =	sshrl.u32 s10, $0x2;
	s8 =	sshll.u32 s9, $0x5;
	s7 =	ssub.s32 s7, s15  }
0xd: {  	s10 =	sshrl.u32 s18, $0x3;
	p1 =	sgt.u32 s9, $0x3;
	s5 =	sadd.s32 s0, s8  }
0xe: {  	s9 =	simm.s32 $0x4;
	s0 =	sadd.s32 s11, s0;
	s8 =	sadd.s32 $0x400, s5  }
0xf: {  	s10 =	sadd.s32 s4, s10;
	s17 =	sadd.s32 $0x800, s5;
	[dreg:$0x5] =	wrdreg s8  }
0x10: {  	s11 =	simm.s32 $0x380;
	s12 =	sadd.s32 $0xC00, s5;
	[dreg:$0x6] =	wrdreg s17  }
0x11: {  	s24 =	sadd.s32 $0x13800, s0;
	s25 =	sadd.s32 $0x27000, s10;
	[dreg:$0x7] =	wrdreg s12  }
0x12: {  	s10 =	simm.s32 $0x280;
	s8 =	sadd.s32 s16, s2;
	[dreg:$0xc] =	wrdreg s24  }
0x13: {  	s12 =	sadd.s32 s20, s18;
	[dreg:$0xe] =	wrdreg s25;
	s18 =	smax.u32 s7, $0x1  }
0x14: {  	s20 =	sadd.s32 $0x13400, s5;
	s24 =	simm.s32 $0x300;
	s19 =	sadd.s32 $0x4000, s8  }
0x15: {  	s25 =	simm.s32 $0x1;
	s14 =	sadd.s32 $0x8000, s8;
	[dreg:$0x8] =	wrdreg s19  }
0x16: {  	s7 =	simm.s32 $0x180;
	s21 =	sadd.s32 $0xC000, s8;
	[dreg:$0x9] =	wrdreg s14  }
0x17: {  	s22 =	sadd.s32 $0x10000, s8;
	s23 =	sshrl.u32 s12, $0x3;
	[dreg:$0xa] =	wrdreg s21  }
0x18: {  	s12 =	simm.s32 $0x0;
	[dreg:$0xb] =	wrdreg s22;
	s14 =	sadd.s32 $0x138000, s2  }
0x19: {  	s4 =	sadd.s32 s4, s23;
	s19 =	sadd.s32 $0x13000, s5;
	s21 =	sadd.s32 s26, s0  }
0x1a: {  	s22 =	simm.s32 $0x100;
	s23 =	simm.s32 $0x200;
	s26 =	simm.s32 $0x80  }
0x1b: {  	v0 =	vimm.f32 $0.0e+00;
	s0 =	simm.s32 $0x5;
	[dreg:$0xd] =	wrdreg s4;
	s4 =	simm.s32 $0x7  }
.LBB2_1:
0x1c: {  	[tilespmem:s3], [sflag:$0x1] =	stream.linear.gather [hbm4b:s5+s3], $0x100, $0x38;
	[tilespmem:$0x1BC80] =	vst v63  }
0x1d: {  	s13 =	rddreg [dreg:$0x5]  }
0x1e: {  	[tilespmem:s22], [sflag:$0x2] =	stream.linear.gather [hbm4b:s13+s3], $0x100, $0x38;
	[tilespmem:$0x1BC80] =	vst v63  }
0x1f: {  	s16 =	rddreg [dreg:$0x6]  }
0x20: {  	[tilespmem:s23], [sflag:$0x3] =	stream.linear.gather [hbm4b:s16+s3], $0x100, $0x38;
	[tilespmem:$0x1BC80] =	vst v63  }
0x21: {  	s17 =	rddreg [dreg:$0x7]  }
0x22: {  	[tilespmem:s24], [sflag:$0x4] =	stream.linear.gather [hbm4b:s17+s3], $0x100, $0x38;
	[tilespmem:$0x1BC80] =	vst v63  }
0x23: {  	_ =	swait.ge [sflag:s25], $0x100  }
0x24: {  	[sflag:s25] =	ssyncset.done $0x0  }
0x25: {  	s15 =	simm.s32 $0x200;
	s13 =	simm.s32 $0x0;
	[sflag:s25] =	ssyncadd.s32 $0xFFFFFF00  }
0x26: {  	[tilespmem:s28], [sflag:$0x5] =	stream.indirect.gather [hbm4b:s1+s26], $0x80, s3, s26, $0xb8;
	[tilespmem:$0x1BC80] =	vst v63  }
.LBB2_2:
0x27: {  	p2 =	sne.s32 s15, $0xFE00;
	[tilespmem:s13+$0x4470] =	vst v0  }
0x28: {  	[tilespmem:s13+$0x4400] =	vst v0  }
0x29: {  	[tilespmem:s13+$0x4410] =	vst v0  }
.Ltmp0:
0x2a: {  	[tilespmem:s13+$0x4420] =	vst v0;
	(pc) =	sbr.rel @p2 .LBB2_2-.Ltmp0, $4  }
0x2b: {  	[tilespmem:s13+$0x4430] =	vst v0  }
0x2c: {  	[tilespmem:s13+$0x4440] =	vst v0  }
0x2d: {  	[tilespmem:s13+$0x4450] =	vst v0  }
0x2e: {  	[tilespmem:s13+$0x4460] =	vst v0;
	s13 =	sshra.s32 s15, $0x2;
	s15 =	sadd.s32 $0x200, s15  }
0x2f: {  	[tilespmem:s13+$0x4470] =	vst v0  }
0x30: {  	[tilespmem:s13+$0x4400] =	vst v0  }
0x31: {  	[tilespmem:s13+$0x4410] =	vst v0  }
0x32: {  	[tilespmem:s13+$0x4420] =	vst v0  }
0x33: {  	[tilespmem:s13+$0x4430] =	vst v0  }
0x34: {  	[tilespmem:s13+$0x4440] =	vst v0  }
0x35: {  	[tilespmem:s13+$0x4450] =	vst v0  }
0x36: {  	[tilespmem:s13+$0x4460] =	vst v0  }
0x37: {  	[spmem:s8] =	stream.linear.scatter [tilespmem:s29], [sflag:$0x6], $0x4000, $0x38;
	[tilespmem:$0x1BC80] =	vst v63  }
0x38: {  	s15 =	rddreg [dreg:$0x8]  }
0x39: {  	[spmem:s15] =	stream.linear.scatter [tilespmem:s29], [sflag:$0x6], $0x4000, $0x38;
	[tilespmem:$0x1BC80] =	vst v63  }
0x3a: {  	s16 =	rddreg [dreg:$0x9]  }
0x3b: {  	[spmem:s16] =	stream.linear.scatter [tilespmem:s29], [sflag:$0x6], $0x4000, $0x38;
	[tilespmem:$0x1BC80] =	vst v63  }
0x3c: {  	s17 =	rddreg [dreg:$0xa]  }
0x3d: {  	[spmem:s17] =	stream.linear.scatter [tilespmem:s29], [sflag:$0x6], $0x4000, $0x38;
	[tilespmem:$0x1BC80] =	vst v63  }
0x3e: {  	s15 =	rddreg [dreg:$0xb]  }
0x3f: {  	[spmem:s15] =	stream.linear.scatter [tilespmem:s29], [sflag:$0x6], $0x3800, $0x38;
	[tilespmem:$0x1BC80] =	vst v63  }
0x40: {  	_ =	swait.ge [sflag:s30], $0x4000  }
0x41: {  	[sflag:s30] =	ssyncset.done $0x0  }
0x42: {  	[sflag:s30] =	ssyncadd.s32 $0xFFFFC000  }
0x43: {  	_ =	swait.ge [sflag:s30], $0x4000  }
0x44: {  	[sflag:s30] =	ssyncset.done $0x0  }
0x45: {  	[sflag:s30] =	ssyncadd.s32 $0xFFFFC000  }
0x46: {  	_ =	swait.ge [sflag:s30], $0x4000  }
0x47: {  	[sflag:s30] =	ssyncset.done $0x0  }
0x48: {  	[sflag:s30] =	ssyncadd.s32 $0xFFFFC000  }
0x49: {  	_ =	swait.ge [sflag:s30], $0x4000  }
0x4a: {  	[sflag:s30] =	ssyncset.done $0x0  }
0x4b: {  	[sflag:s30] =	ssyncadd.s32 $0xFFFFC000  }
0x4c: {  	_ =	swait.ge [sflag:s30], $0x3800  }
0x4d: {  	[sflag:s30] =	ssyncset.done $0x0  }
0x4e: {  	s13 =	simm.s32 @!p0 $0x4400;
	[sflag:s30] =	ssyncadd.s32 $0xFFFFC800  }
0x4f: {  	[spmem:s14] =	stream.linear.scatter @!p0 [tilespmem:s13], [sflag:$0x7], $0x800, $0x38;
	[tilespmem:$0x1BC80] =	vst v63  }
0x50: {  	s13 =	simm.s32 @!p0 $0x7  }
0x51: {  	_ =	swait.ge @!p0 [sflag:s13], $0x800  }
0x52: {  	[sflag:s13] =	ssyncset.done @!p0 $0x0  }
0x53: {  	[sflag:s13] =	ssyncadd.s32 @!p0 $0xFFFFF800  }
0x54: {  	_ =	swait.ge [sflag:s31], $0x100  }
0x55: {  	[sflag:s31] =	ssyncset.done $0x0  }
0x56: {  	[sflag:s31] =	ssyncadd.s32 $0xFFFFFF00  }
0x57: {  	[tilespmem:s29], [sflag:$0x6] =	stream.indirect.gather [hbm4b:s1+s26], $0x80, s22, s26, $0xb8;
	[tilespmem:$0x1BC80] =	vst v63  }
0x58: {  	[bflag:$0x0] =	sbarrier.arrive $0xFFFF  }
0x59: {  	_ =	swait.ge [sflag:s0], $0x4000  }
0x5a: {  	[sflag:s0] =	ssyncset.done $0x0  }
0x5b: {  	[sflag:s0] =	ssyncadd.s32 $0xFFFFC000  }
0x5c: {  	[spmem:s2] =	stream.indirect.scatter.add.f32 [tilespmem:s28], [sflag:$0x7], $0x80, s26, s26, $0xb8;
	[tilespmem:$0x1BC80] =	vst v63  }
0x5d: {  	_ =	swait.ge [sflag:s4], $0x4000  }
0x5e: {  	s13 =	sadd.s32 $0x0, s21;
	[sflag:s4] =	ssyncset.done $0x0  }
0x5f: {  	s15 =	sadd.s32 $0x1000, s13;
	[sflag:s4] =	ssyncadd.s32 $0xFFFFC000  }
0x60: {  	[tilespmem:s3], [sflag:$0x1] =	stream.linear.gather [hbm4b:s15+s3], $0x100, $0x38;
	[tilespmem:$0x1BC80] =	vst v63  }
0x61: {  	_ =	swait.ge [sflag:s6], $0x100  }
0x62: {  	[sflag:s6] =	ssyncset.done $0x0  }
0x63: {  	[sflag:s6] =	ssyncadd.s32 $0xFFFFFF00  }
0x64: {  	[tilespmem:s28], [sflag:$0x5] =	stream.indirect.gather [hbm4b:s1+s26], $0x80, s23, s26, $0xb8;
	[tilespmem:$0x1BC80] =	vst v63  }
0x65: {  	_ =	swait.ge [sflag:s30], $0x4000  }
0x66: {  	[sflag:s30] =	ssyncset.done $0x0  }
0x67: {  	[sflag:s30] =	ssyncadd.s32 $0xFFFFC000  }
0x68: {  	[spmem:s2] =	stream.indirect.scatter.add.f32 [tilespmem:s29], [sflag:$0x7], $0x80, s7, s26, $0xb8;
	[tilespmem:$0x1BC80] =	vst v63  }
0x69: {  	_ =	swait.ge [sflag:s4], $0x4000  }
0x6a: {  	[sflag:s4] =	ssyncset.done $0x0  }
0x6b: {  	s16 =	sadd.s32 $0x1400, s13;
	[sflag:s4] =	ssyncadd.s32 $0xFFFFC000  }
0x6c: {  	[tilespmem:s22], [sflag:$0x2] =	stream.linear.gather [hbm4b:s16+s3], $0x100, $0x38;
	[tilespmem:$0x1BC80] =	vst v63  }
0x6d: {  	_ =	swait.ge [sflag:s9], $0x100  }
0x6e: {  	[sflag:s9] =	ssyncset.done $0x0  }
0x6f: {  	[sflag:s9] =	ssyncadd.s32 $0xFFFFFF00  }
0x70: {  	[tilespmem:s29], [sflag:$0x6] =	stream.indirect.gather [hbm4b:s1+s26], $0x80, s24, s26, $0xb8;
	[tilespmem:$0x1BC80] =	vst v63  }
0x71: {  	_ =	swait.ge [sflag:s0], $0x4000  }
0x72: {  	[sflag:s0] =	ssyncset.done $0x0  }
0x73: {  	[sflag:s0] =	ssyncadd.s32 $0xFFFFC000  }
0x74: {  	[spmem:s2] =	stream.indirect.scatter.add.f32 [tilespmem:s28], [sflag:$0x7], $0x80, s10, s26, $0xb8;
	[tilespmem:$0x1BC80] =	vst v63  }
0x75: {  	_ =	swait.ge [sflag:s4], $0x4000  }
0x76: {  	[sflag:s4] =	ssyncset.done $0x0  }
0x77: {  	s17 =	sadd.s32 $0x1800, s13;
	[sflag:s4] =	ssyncadd.s32 $0xFFFFC000  }
0x78: {  	[tilespmem:s23], [sflag:$0x3] =	stream.linear.gather [hbm4b:s17+s3], $0x100, $0x38;
	[tilespmem:$0x1BC80] =	vst v63  }
0x79: {  	_ =	swait.ge [sflag:s25], $0x100  }
0x7a: {  	[sflag:s25] =	ssyncset.done $0x0  }
0x7b: {  	[sflag:s25] =	ssyncadd.s32 $0xFFFFFF00  }
0x7c: {  	[tilespmem:s28], [sflag:$0x5] =	stream.indirect.gather [hbm4b:s1+s26], $0x80, s3, s26, $0xb8;
	[tilespmem:$0x1BC80] =	vst v63  }
0x7d: {  	_ =	swait.ge [sflag:s30], $0x4000  }
0x7e: {  	[sflag:s30] =	ssyncset.done $0x0  }
0x7f: {  	[sflag:s30] =	ssyncadd.s32 $0xFFFFC000  }
0x80: {  	[spmem:s2] =	stream.indirect.scatter.add.f32 [tilespmem:s29], [sflag:$0x7], $0x80, s11, s26, $0xb8;
	[tilespmem:$0x1BC80] =	vst v63  }
0x81: {  	_ =	swait.ge [sflag:s4], $0x4000  }
0x82: {  	[sflag:s4] =	ssyncset.done $0x0  }
0x83: {  	s13 =	sadd.s32 $0x1C00, s13;
	[sflag:s4] =	ssyncadd.s32 $0xFFFFC000  }
0x84: {  	[tilespmem:s24], [sflag:$0x4] =	stream.linear.gather [hbm4b:s13+s3], $0x100, $0x38;
	[tilespmem:$0x1BC80] =	vst v63  }
0x85: {  	_ =	swait.ge [sflag:s31], $0x100  }
0x86: {  	[sflag:s31] =	ssyncset.done $0x0  }
0x87: {  	s13 =	simm.s32 $0x1000;
	[sflag:s31] =	ssyncadd.s32 $0xFFFFFF00  }
.LBB2_4:
0x88: {  	[tilespmem:s29], [sflag:$0x6] =	stream.indirect.gather [hbm4b:s1+s26], $0x80, s22, s26, $0xb8;
	[tilespmem:$0x1BC80] =	vst v63  }
0x89: {  	s15 =	smov.u32 s13  }
0x8a: {  	p2 =	sne.s32 s13, $0x11000;
	s13 =	sadd.s32 $0x1000, s13;
	_ =	swait.ge [sflag:s0], $0x4000  }
0x8b: {  	[sflag:s0] =	ssyncset.done $0x0  }
0x8c: {  	[sflag:s0] =	ssyncadd.s32 $0xFFFFC000  }
0x8d: {  	[spmem:s2] =	stream.indirect.scatter.add.f32 [tilespmem:s28], [sflag:$0x7], $0x80, s26, s26, $0xb8;
	[tilespmem:$0x1BC80] =	vst v63  }
0x8e: {  	_ =	swait.ge [sflag:s4], $0x4000  }
0x8f: {  	s15 =	sadd.s32 s15, s21;
	[sflag:s4] =	ssyncset.done $0x0  }
0x90: {  	s16 =	sadd.s32 $0x1000, s15;
	[sflag:s4] =	ssyncadd.s32 $0xFFFFC000  }
0x91: {  	[tilespmem:s3], [sflag:$0x1] =	stream.linear.gather [hbm4b:s16+s3], $0x100, $0x38;
	[tilespmem:$0x1BC80] =	vst v63  }
0x92: {  	_ =	swait.ge [sflag:s6], $0x100  }
0x93: {  	[sflag:s6] =	ssyncset.done $0x0  }
0x94: {  	[sflag:s6] =	ssyncadd.s32 $0xFFFFFF00  }
0x95: {  	[tilespmem:s28], [sflag:$0x5] =	stream.indirect.gather [hbm4b:s1+s26], $0x80, s23, s26, $0xb8;
	[tilespmem:$0x1BC80] =	vst v63  }
0x96: {  	_ =	swait.ge [sflag:s30], $0x4000  }
0x97: {  	[sflag:s30] =	ssyncset.done $0x0  }
0x98: {  	[sflag:s30] =	ssyncadd.s32 $0xFFFFC000  }
0x99: {  	[spmem:s2] =	stream.indirect.scatter.add.f32 [tilespmem:s29], [sflag:$0x7], $0x80, s7, s26, $0xb8;
	[tilespmem:$0x1BC80] =	vst v63  }
0x9a: {  	_ =	swait.ge [sflag:s4], $0x4000  }
0x9b: {  	[sflag:s4] =	ssyncset.done $0x0  }
0x9c: {  	s16 =	sadd.s32 $0x1400, s15;
	[sflag:s4] =	ssyncadd.s32 $0xFFFFC000  }
0x9d: {  	[tilespmem:s22], [sflag:$0x2] =	stream.linear.gather [hbm4b:s16+s3], $0x100, $0x38;
	[tilespmem:$0x1BC80] =	vst v63  }
0x9e: {  	_ =	swait.ge [sflag:s9], $0x100  }
0x9f: {  	[sflag:s9] =	ssyncset.done $0x0  }
0xa0: {  	[sflag:s9] =	ssyncadd.s32 $0xFFFFFF00  }
0xa1: {  	[tilespmem:s29], [sflag:$0x6] =	stream.indirect.gather [hbm4b:s1+s26], $0x80, s24, s26, $0xb8;
	[tilespmem:$0x1BC80] =	vst v63  }
0xa2: {  	_ =	swait.ge [sflag:s0], $0x4000  }
0xa3: {  	[sflag:s0] =	ssyncset.done $0x0  }
0xa4: {  	[sflag:s0] =	ssyncadd.s32 $0xFFFFC000  }
0xa5: {  	[spmem:s2] =	stream.indirect.scatter.add.f32 [tilespmem:s28], [sflag:$0x7], $0x80, s10, s26, $0xb8;
	[tilespmem:$0x1BC80] =	vst v63  }
0xa6: {  	_ =	swait.ge [sflag:s4], $0x4000  }
0xa7: {  	[sflag:s4] =	ssyncset.done $0x0  }
0xa8: {  	s16 =	sadd.s32 $0x1800, s15;
	[sflag:s4] =	ssyncadd.s32 $0xFFFFC000  }
0xa9: {  	[tilespmem:s23], [sflag:$0x3] =	stream.linear.gather [hbm4b:s16+s3], $0x100, $0x38;
	[tilespmem:$0x1BC80] =	vst v63  }
0xaa: {  	_ =	swait.ge [sflag:s25], $0x100  }
0xab: {  	[sflag:s25] =	ssyncset.done $0x0  }
0xac: {  	[sflag:s25] =	ssyncadd.s32 $0xFFFFFF00  }
0xad: {  	[tilespmem:s28], [sflag:$0x5] =	stream.indirect.gather [hbm4b:s1+s26], $0x80, s3, s26, $0xb8;
	[tilespmem:$0x1BC80] =	vst v63  }
0xae: {  	_ =	swait.ge [sflag:s30], $0x4000  }
0xaf: {  	[sflag:s30] =	ssyncset.done $0x0  }
0xb0: {  	[sflag:s30] =	ssyncadd.s32 $0xFFFFC000  }
0xb1: {  	[spmem:s2] =	stream.indirect.scatter.add.f32 [tilespmem:s29], [sflag:$0x7], $0x80, s11, s26, $0xb8;
	[tilespmem:$0x1BC80] =	vst v63  }
0xb2: {  	_ =	swait.ge [sflag:s4], $0x4000  }
0xb3: {  	[sflag:s4] =	ssyncset.done $0x0  }
.Ltmp1:
0xb4: {  	s15 =	sadd.s32 $0x1C00, s15;
	[sflag:s4] =	ssyncadd.s32 $0xFFFFC000;
	(pc) =	sbr.rel @p2 .LBB2_4-.Ltmp1, $4  }
0xb5: {  	[tilespmem:s24], [sflag:$0x4] =	stream.linear.gather [hbm4b:s15+s3], $0x100, $0x38;
	[tilespmem:$0x1BC80] =	vst v63  }
0xb6: {  	_ =	swait.ge [sflag:s31], $0x100  }
0xb7: {  	[sflag:s31] =	ssyncset.done $0x0  }
0xb8: {  	[sflag:s31] =	ssyncadd.s32 $0xFFFFFF00  }
0xb9: {  	[tilespmem:s29], [sflag:$0x6] =	stream.indirect.gather [hbm4b:s1+s26], $0x80, s22, s26, $0xb8;
	[tilespmem:$0x1BC80] =	vst v63  }
0xba: {  	_ =	swait.ge [sflag:s0], $0x4000  }
0xbb: {  	[sflag:s0] =	ssyncset.done $0x0  }
0xbc: {  	[sflag:s0] =	ssyncadd.s32 $0xFFFFC000  }
0xbd: {  	[spmem:s2] =	stream.indirect.scatter.add.f32 [tilespmem:s28], [sflag:$0x7], $0x80, s26, s26, $0xb8;
	[tilespmem:$0x1BC80] =	vst v63  }
0xbe: {  	_ =	swait.ge [sflag:s4], $0x4000  }
0xbf: {  	[sflag:s4] =	ssyncset.done $0x0  }
0xc0: {  	[sflag:s4] =	ssyncadd.s32 $0xFFFFC000  }
0xc1: {  	[tilespmem:s3], [sflag:$0x1] =	stream.linear.gather [hbm4b:s19+s3], $0x100, $0x38;
	[tilespmem:$0x1BC80] =	vst v63  }
0xc2: {  	_ =	swait.ge [sflag:s6], $0x100  }
0xc3: {  	[sflag:s6] =	ssyncset.done $0x0  }
0xc4: {  	[sflag:s6] =	ssyncadd.s32 $0xFFFFFF00  }
0xc5: {  	[tilespmem:s28], [sflag:$0x5] =	stream.indirect.gather [hbm4b:s1+s26], $0x80, s23, s26, $0xb8;
	[tilespmem:$0x1BC80] =	vst v63  }
0xc6: {  	_ =	swait.ge [sflag:s30], $0x4000  }
0xc7: {  	[sflag:s30] =	ssyncset.done $0x0  }
0xc8: {  	[sflag:s30] =	ssyncadd.s32 $0xFFFFC000  }
0xc9: {  	[spmem:s2] =	stream.indirect.scatter.add.f32 [tilespmem:s29], [sflag:$0x7], $0x80, s7, s26, $0xb8;
	[tilespmem:$0x1BC80] =	vst v63  }
0xca: {  	_ =	swait.ge [sflag:s4], $0x4000  }
0xcb: {  	[sflag:s4] =	ssyncset.done $0x0  }
0xcc: {  	[sflag:s4] =	ssyncadd.s32 $0xFFFFC000  }
0xcd: {  	[tilespmem:s22], [sflag:$0x2] =	stream.linear.gather [hbm4b:s20+s3], $0x100, $0x38;
	[tilespmem:$0x1BC80] =	vst v63  }
0xce: {  	_ =	swait.ge [sflag:s9], $0x100  }
0xcf: {  	[sflag:s9] =	ssyncset.done $0x0  }
0xd0: {  	[sflag:s9] =	ssyncadd.s32 $0xFFFFFF00  }
0xd1: {  	[tilespmem:s29], [sflag:$0x6] =	stream.indirect.gather [hbm4b:s1+s26], $0x80, s24, s26, $0xb8;
	[tilespmem:$0x1BC80] =	vst v63  }
0xd2: {  	_ =	swait.ge [sflag:s0], $0x4000  }
0xd3: {  	[sflag:s0] =	ssyncset.done $0x0  }
0xd4: {  	[sflag:s0] =	ssyncadd.s32 $0xFFFFC000  }
0xd5: {  	[spmem:s2] =	stream.indirect.scatter.add.f32 [tilespmem:s28], [sflag:$0x7], $0x80, s10, s26, $0xb8;
	[tilespmem:$0x1BC80] =	vst v63  }
0xd6: {  	_ =	swait.ge [sflag:s4], $0x4000  }
0xd7: {  	[sflag:s4] =	ssyncset.done $0x0  }
0xd8: {  	[sflag:s4] =	ssyncadd.s32 $0xFFFFC000  }
0xd9: {  	_ =	swait.ge [sflag:s25], $0x100  }
0xda: {  	[sflag:s25] =	ssyncset.done $0x0  }
0xdb: {  	[sflag:s25] =	ssyncadd.s32 $0xFFFFFF00  }
0xdc: {  	[tilespmem:s28], [sflag:$0x5] =	stream.indirect.gather [hbm4b:s1+s26], $0x80, s3, s26, $0xb8;
	[tilespmem:$0x1BC80] =	vst v63  }
0xdd: {  	_ =	swait.ge [sflag:s30], $0x4000  }
0xde: {  	[sflag:s30] =	ssyncset.done $0x0  }
0xdf: {  	[sflag:s30] =	ssyncadd.s32 $0xFFFFC000  }
0xe0: {  	[spmem:s2] =	stream.indirect.scatter.add.f32 [tilespmem:s29], [sflag:$0x7], $0x80, s11, s26, $0xb8;
	[tilespmem:$0x1BC80] =	vst v63  }
0xe1: {  	_ =	swait.ge [sflag:s4], $0x4000  }
0xe2: {  	[sflag:s4] =	ssyncset.done $0x0  }
0xe3: {  	[sflag:s4] =	ssyncadd.s32 $0xFFFFC000  }
0xe4: {  	_ =	swait.ge [sflag:s31], $0x100  }
0xe5: {  	[sflag:s31] =	ssyncset.done $0x0  }
0xe6: {  	[sflag:s31] =	ssyncadd.s32 $0xFFFFFF00  }
0xe7: {  	[tilespmem:s29], [sflag:$0x6] =	stream.indirect.gather [hbm4b:s1+s26], $0x80, s22, s26, $0xb8;
	[tilespmem:$0x1BC80] =	vst v63  }
0xe8: {  	_ =	swait.ge [sflag:s0], $0x4000  }
0xe9: {  	[sflag:s0] =	ssyncset.done $0x0  }
0xea: {  	[sflag:s0] =	ssyncadd.s32 $0xFFFFC000  }
0xeb: {  	[spmem:s2] =	stream.indirect.scatter.add.f32 [tilespmem:s28], [sflag:$0x7], $0x80, s26, s26, $0xb8;
	[tilespmem:$0x1BC80] =	vst v63  }
0xec: {  	_ =	swait.ge [sflag:s4], $0x4000  }
0xed: {  	[sflag:s4] =	ssyncset.done $0x0  }
0xee: {  	[sflag:s4] =	ssyncadd.s32 $0xFFFFC000  }
0xef: {  	_ =	swait.ge [sflag:s30], $0x4000  }
0xf0: {  	[sflag:s30] =	ssyncset.done $0x0  }
0xf1: {  	[sflag:s30] =	ssyncadd.s32 $0xFFFFC000  }
0xf2: {  	[spmem:s2] =	stream.indirect.scatter.add.f32 [tilespmem:s29], [sflag:$0x7], $0x80, s7, s26, $0xb8;
	[tilespmem:$0x1BC80] =	vst v63  }
0xf3: {  	_ =	swait.ge [sflag:s4], $0x4000  }
0xf4: {  	[sflag:s4] =	ssyncset.done $0x0  }
0xf5: {  	s13 =	simm.s32 @!p1 $0x0;
	s15 =	rddreg [dreg:$0xc];
	[sflag:s4] =	ssyncadd.s32 $0xFFFFC000  }
0xf6: {  	[tilespmem:s13], [sflag:$0x7] =	stream.linear.gather @!p1 [hbm4b:s15+s13], $0x100, $0x38;
	[tilespmem:$0x1BC80] =	vst v63  }
0xf7: {  	s15 =	simm.s32 @!p1 $0x7  }
0xf8: {  	_ =	swait.ge @!p1 [sflag:s15], $0x100  }
0xf9: {  	[sflag:s15] =	ssyncset.done @!p1 $0x0  }
0xfa: {  	s16 =	simm.s32 @!p1 $0x80;
	s17 =	simm.s32 @!p1 $0x400;
	[sflag:s15] =	ssyncadd.s32 @!p1 $0xFFFFFF00  }
0xfb: {  	[tilespmem:s17], [sflag:$0x5] =	stream.indirect.gather @!p1 [hbm4b:s1+s16], $0x80, s13, s16, $0xb8;
	[tilespmem:$0x1BC80] =	vst v63  }
0xfc: {  	s13 =	simm.s32 @!p1 $0x5  }
0xfd: {  	_ =	swait.ge @!p1 [sflag:s13], $0x4000  }
0xfe: {  	[sflag:s13] =	ssyncset.done @!p1 $0x0  }
0xff: {  	[sflag:s13] =	ssyncadd.s32 @!p1 $0xFFFFC000  }
0x100: {  	[spmem:s2] =	stream.indirect.scatter.add.f32 @!p1 [tilespmem:s17], [sflag:$0x7], $0x80, s16, s16, $0xb8;
	[tilespmem:$0x1BC80] =	vst v63  }
0x101: {  	_ =	swait.ge @!p1 [sflag:s15], $0x4000  }
0x102: {  	[sflag:s15] =	ssyncset.done @!p1 $0x0  }
0x103: {  	[sflag:s15] =	ssyncadd.s32 @!p1 $0xFFFFC000;
	s15 =	stileid.u32  }
0x104: {  	s13 =	sshll.u32 s15, $0x6;
	[bflag:$0x0] =	sbarrier.arrive $0xFFFF  }
0x105: {  	s16 =	sshrl.u32 s8, $0x3;
	s13 =	sor.u32 $0x1C07, s13;
	s17 =	rddreg [dreg:$0xd]  }
0x106: {  	[hbm:s17], [sflag:s13] =	dma.local [spmem:s16], $0x2700  }
0x107: {  	s12 =	sadd.s32 $0x1, s12;
	_ =	swait.ge [sflag:s4], $0x2700  }
0x108: {  	p2 =	sne.s32 s12, s18;
	[sflag:s4] =	ssyncset.done $0x0  }
0x109: {  	s15 =	sshrl.u32 @!p0 s14, $0x3;
	s16 =	rddreg [dreg:$0xe];
	[sflag:s4] =	ssyncadd.s32 $0xFFFFD900  }
0x10a: {  	[hbm:s16], [sflag:s13] =	dma.local @!p0 [spmem:s15], $0x100  }
.Ltmp2:
0x10b: {  	_ = 	snop;
	(pc) =	sbr.rel @p2 .LBB2_1-.Ltmp2, $4  }
0x10c: {  	s13 =	simm.s32 @!p0 $0x7  }
0x10d: {  	_ =	swait.ge @!p0 [sflag:s13], $0x100  }
0x10e: {  	[sflag:s13] =	ssyncset.done @!p0 $0x0  }
0x10f: {  	[sflag:s13] =	ssyncadd.s32 @!p0 $0xFFFFFF00  }
0x110: {  	_ =	sfence.sel $0x180000  }
0x111: {  	[bflag:$0x0] =	sbarrier.arrive $0xFFFF  }
0x112: {  	_ =	strace $0x90000047  }
0x113: {  	[bflag:$0x2] =	sbarrier.arrive $0xFFFF  }
0x114: {  	s0 =	rddreg [dreg:$0x4]  }
0x115: {  	s0 =	sadd.s32 @!p0 $0x100000, s0  }
0x116: {  	[sflag:s0] =	ssyncadd.tile.s32 @!p0 $0x1;
	_ =	shalt  }
.Lfunc_end2:
_tile_overlayer_lowered:
.L_overlay_start_2:
0x117: {  	(tag) =	ssettag $0x2  }
0x118: {  	s0 =	rddreg [dreg:$0x0];
	s2 =	stileid.u32  }
0x119: {  	s1 =	rddreg [dreg:$0x1];
	p0 =	sne.s32 s2, $0x0  }
0x11a: {  	s3 =	rddreg [dreg:$0x2];
	[bflag:$0x3] =	sbarrier.arrive $0xFFFF;
	s2 =	simm.s32 @!p0 $0x1C07  }
0x11b: {  	[timem:s3], [sflag:s2] =	dma.local @!p0 [hbm:s0], s1  }
0x11c: {  	s0 =	simm.s32 @!p0 $0x7  }
0x11d: {  	_ =	swait.ge @!p0 [sflag:s0], s1  }
0x11e: {  	s1 =	ssub.s32 @!p0 $0x0, s1;
	[sflag:s0] =	ssyncset.done @!p0 $0x0  }
0x11f: {  	[sflag:s0] =	ssyncadd.s32 @!p0 s1  }
0x120: {  	[bflag:$0x3] =	sbarrier.arrive $0xFFFF  }
0x121: {  	_ =	shalt  }

</sc_bundles>
